<compile_context>
chip_gen: v7x
topology: tpu7x:2x2x1
jax: 0.10.2.dev20260603
libtpu: 0.0.44.dev20260713+nightly
codegen_flags: <defaults>
</compile_context>

<pallas_src>
import functools

import jax
import jax.numpy as jnp
from jax import lax
from jax.experimental import pallas as pl
from jax.experimental.pallas import tpu as pltpu
from jax.experimental.pallas import tpu_sc as plsc

N_NODES = 10000
N_EDGES = 320000
D = 128
H = 64

T_PAD = 10240
A_PAD = 10048
PAD_IDX = N_NODES
CHUNK = 128
N_CHUNKS = 157
PER_TILE = N_CHUNKS * CHUNK
E_PAD = 16 * PER_TILE
ROWS_PER_TILE = A_PAD // 16
SLAB = ROWS_PER_TILE // 4
DEG_RUN = A_PAD // 4


def _tc_project(x_pad, w, b):
    blk = 1024

    def body(x_ref, w_ref, b_ref, o_ref):
        whaf = jnp.dot(x_ref[...], w_ref[0],
                       preferred_element_type=jnp.float32) + b_ref[0:1, :]
        whab = jnp.dot(x_ref[...], w_ref[1],
                       preferred_element_type=jnp.float32) + b_ref[1:2, :]
        o_ref[0] = whaf[:, 0:H]
        o_ref[1] = whaf[:, H:D]
        o_ref[2] = whab[:, 0:H]
        o_ref[3] = whab[:, H:D]

    return pl.pallas_call(
        body,
        grid=(T_PAD // blk,),
        in_specs=[
            pl.BlockSpec((blk, D), lambda i: (i, 0)),
            pl.BlockSpec((2, D, D), lambda i: (0, 0, 0)),
            pl.BlockSpec((2, D), lambda i: (0, 0)),
        ],
        out_specs=pl.BlockSpec((4, blk, H), lambda i: (0, i, 0)),
        out_shape=jax.ShapeDtypeStruct((4, T_PAD, H), jnp.float32),
    )(x_pad, w, b)


def _sc_aggregate(wh_flat, edges, src_off, zrow, zcnt, ones):
    mesh = plsc.VectorSubcoreMesh(core_axis_name="c", subcore_axis_name="s")

    @functools.partial(
        pl.kernel,
        out_type=[
            jax.ShapeDtypeStruct((2, A_PAD, H), jnp.float32),
            jax.ShapeDtypeStruct((2, A_PAD), jnp.float32),
        ],
        mesh=mesh,
        compiler_params=pltpu.CompilerParams(use_tc_tiling_on_sc=False),
        scratch_types=[
            pltpu.VMEM((N_CHUNKS, CHUNK), jnp.int32),
            pltpu.VMEM((N_CHUNKS, CHUNK), jnp.int32),
            pltpu.VMEM((N_CHUNKS, CHUNK), jnp.int32),
            pltpu.VMEM((CHUNK, H), jnp.float32),
            pltpu.VMEM((SLAB, H), jnp.float32),
            pltpu.VMEM((DEG_RUN,), jnp.float32),
            pltpu.VMEM((CHUNK,), jnp.float32),
            pltpu.VMEM_SHARED((A_PAD, H), jnp.float32),
            pltpu.VMEM_SHARED((A_PAD,), jnp.float32),
            pltpu.SemaphoreType.DMA,
        ],
    )
    def agg(wh_hbm, edges_hbm, srcoff_hbm, zrow_hbm, zcnt_hbm, ones_hbm,
            g_out, deg_out,
            srcg_v, dst_v, srcr_v, rows_v, zbuf, cbuf, ones_v,
            acc_sh, deg_sh, sem):
        c = lax.axis_index("c")
        s = lax.axis_index("s")

        pltpu.sync_copy(zrow_hbm, zbuf)
        pltpu.sync_copy(zcnt_hbm, cbuf)
        pltpu.sync_copy(ones_hbm, ones_v)

        base = s * ROWS_PER_TILE
        for k in range(4):
            off = base + k * SLAB
            pltpu.sync_copy(zbuf, acc_sh.at[pl.ds(off, SLAB)])

        @pl.when(s == 0)
        def _():
            for k in range(4):
                pltpu.sync_copy(cbuf, deg_sh.at[pl.ds(k * DEG_RUN, DEG_RUN)])
        plsc.subcore_barrier()

        for t in range(2):
            pltpu.sync_copy(srcoff_hbm.at[c, t, s], srcg_v)
            pltpu.sync_copy(edges_hbm.at[t, 1, s], dst_v)

            def chunk_body(j, carry):
                pltpu.async_copy(wh_hbm.at[srcg_v.at[j]], rows_v, sem).wait()
                pltpu.sync_copy(rows_v, acc_sh.at[dst_v.at[j]], add=True)
                return carry

            lax.fori_loop(0, N_CHUNKS, chunk_body, 0)

            @pl.when(c == t)
            def _():
                pltpu.sync_copy(edges_hbm.at[t, 0, s], srcr_v)

                def deg_body(j, carry):
                    pltpu.sync_copy(ones_v, deg_sh.at[srcr_v.at[j]],
                                    add=True)
                    return carry

                lax.fori_loop(0, N_CHUNKS, deg_body, 0)

        plsc.subcore_barrier()

        for k in range(4):
            off = base + k * SLAB
            pltpu.sync_copy(acc_sh.at[pl.ds(off, SLAB)],
                            g_out.at[c, pl.ds(off, SLAB)])

        @pl.when(s % 4 == 0)
        def _():
            run = pl.multiple_of((s // 4) * DEG_RUN, DEG_RUN)
            pltpu.sync_copy(deg_sh.at[pl.ds(run, DEG_RUN)],
                            deg_out.at[c, pl.ds(run, DEG_RUN)])

    return agg(wh_flat, edges, src_off, zrow, zcnt, ones)


def _tc_finalize(g, deg):
    blk = 1000

    def body(g_ref, deg_ref, o_ref):
        d = deg_ref[0] + deg_ref[1]
        inv = 1.0 / jnp.where(d == 0.0, 1.0, d)
        acc = jnp.concatenate([g_ref[0], g_ref[1]], axis=1) * inv
        o_ref[...] = jnp.maximum(acc, 0.0)

    return pl.pallas_call(
        body,
        grid=(N_NODES // blk,),
        in_specs=[
            pl.BlockSpec((2, blk, H), lambda i: (0, i, 0)),
            pl.BlockSpec((2, blk, 1), lambda i: (0, i, 0)),
        ],
        out_specs=pl.BlockSpec((blk, D), lambda i: (i, 0)),
        out_shape=jax.ShapeDtypeStruct((N_NODES, D), jnp.float32),
    )(g, deg)


def _prep_edges(ei):
    p = jnp.pad(ei, ((0, 0), (0, E_PAD - N_EDGES)), constant_values=PAD_IDX)
    return p.reshape(2, 16, N_CHUNKS, CHUNK)


@jax.jit
def kernel(x, edge_index_fwd, edge_index_bwd, W_af, b_af, W_ab, b_ab):
    x_pad = jnp.pad(x, ((0, T_PAD - N_NODES), (0, 0)))
    edges = jnp.stack([_prep_edges(edge_index_fwd),
                       _prep_edges(edge_index_bwd)])
    src = edges[:, 0]
    src_off = jnp.stack([
        jnp.stack([src[0] + 0 * T_PAD, src[1] + 2 * T_PAD]),
        jnp.stack([src[0] + 1 * T_PAD, src[1] + 3 * T_PAD]),
    ])
    zrow = jnp.zeros((SLAB, H), jnp.float32)
    zcnt = jnp.zeros((DEG_RUN,), jnp.float32)
    ones = jnp.ones((CHUNK,), jnp.float32)

    w = jnp.stack([W_af, W_ab])
    b = jnp.stack([b_af, b_ab])
    wh = _tc_project(x_pad, w, b).reshape(4 * T_PAD, H)

    g, deg = _sc_aggregate(wh, edges, src_off, zrow, zcnt, ones)
    return _tc_finalize(g, deg.reshape(2, A_PAD, 1))

# --- scband reference (transcript-rebuilt; emitter-appended) ---
"""Pipeline reference for scband-aaglayer-74148315398362 (READ-ONLY COPY).

The authoritative reference and input builder live on the scoring server;
editing this copy changes nothing except your own understanding.
"""

import jax, jax.numpy as jnp
import numpy as np

N_NODES = 10000
N_EDGES = 320000
D_IN = 128
D_OUT = 128


def setup_inputs(seed: int = 0) -> dict:
    key = jax.random.key(seed)
    ks = jax.random.split(key, 7)
    x = jax.random.normal(ks[0], (N_NODES, D_IN), dtype=jnp.float32)
    edge_index_fwd = jax.random.randint(ks[1], (2, N_EDGES), 0, N_NODES, dtype=jnp.int32)
    edge_index_bwd = jax.random.randint(ks[2], (2, N_EDGES), 0, N_NODES, dtype=jnp.int32)
    # Learned params for the two Linear layers (aag_forward, aag_backward)
    scale = 1.0 / np.sqrt(D_IN)
    W_af = jax.random.uniform(ks[3], (D_IN, D_OUT), dtype=jnp.float32, minval=-scale, maxval=scale)
    b_af = jax.random.uniform(ks[4], (D_OUT,), dtype=jnp.float32, minval=-scale, maxval=scale)
    W_ab = jax.random.uniform(ks[5], (D_IN, D_OUT), dtype=jnp.float32, minval=-scale, maxval=scale)
    b_ab = jax.random.uniform(ks[6], (D_OUT,), dtype=jnp.float32, minval=-scale, maxval=scale)
    return {
        "x": x,
        "edge_index_fwd": edge_index_fwd,
        "edge_index_bwd": edge_index_bwd,
        "W_af": W_af,
        "b_af": b_af,
        "W_ab": W_ab,
        "b_ab": b_ab,
    }


def reference(x, edge_index_fwd, edge_index_bwd, W_af, b_af, W_ab, b_ab):
    # Linear projections for each edge type
    Wh_af = x @ W_af + b_af
    Wh_ab = x @ W_ab + b_ab

    src_f, dst_f = edge_index_fwd[0], edge_index_fwd[1]
    src_b, dst_b = edge_index_bwd[0], edge_index_bwd[1]

    # update_all(copy_src, sum): message = Wh[src], summed at dst
    h_af = jax.ops.segment_sum(Wh_af[src_f], dst_f, num_segments=N_NODES)
    h_ab = jax.ops.segment_sum(Wh_ab[src_b], dst_b, num_segments=N_NODES)

    lembs = h_af + h_ab

    # combined out-degrees (per DGL G.out_degrees), zeros clamped to 1
    deg_f = jnp.bincount(src_f, length=N_NODES)
    deg_b = jnp.bincount(src_b, length=N_NODES)
    combined = deg_f + deg_b
    combined = jnp.where(combined == 0, 1, combined).astype(jnp.float32)

    lembs = lembs / combined[:, None]
    return jax.nn.relu(lembs)

if __name__ == "__main__":
    import jax
    _d = setup_inputs()
    print(jax.jit(kernel)(*tuple(_d.values())))

</pallas_src>

<mosaic_0001>
#map = affine_map<(d0, d1) -> (0, 0)>
#map1 = affine_map<(d0, d1) -> (0, 0, 0, 0, 0)>
#map2 = affine_map<(d0, d1) -> (0)>
#map3 = affine_map<(d0, d1) -> (0, 0, 0)>
module attributes {stable_mosaic.version = 14 : i64} {
  func.func @agg(%arg0: i32, %arg1: i32, %arg2: memref<40960x64xf32, #tpu.memory_space<hbm>>, %arg3: memref<2x2x16x157x128xi32, #tpu.memory_space<hbm>>, %arg4: memref<2x2x16x157x128xi32, #tpu.memory_space<hbm>>, %arg5: memref<157x64xf32, #tpu.memory_space<hbm>>, %arg6: memref<2512xf32, #tpu.memory_space<hbm>>, %arg7: memref<128xf32, #tpu.memory_space<hbm>>, %arg8: memref<2x10048x64xf32, #tpu.memory_space<hbm>>, %arg9: memref<2x10048xf32, #tpu.memory_space<hbm>>, %arg10: memref<157x128xi32, #tpu.memory_space<vmem>>, %arg11: memref<157x128xi32, #tpu.memory_space<vmem>>, %arg12: memref<157x128xi32, #tpu.memory_space<vmem>>, %arg13: memref<128x64xf32, #tpu.memory_space<vmem>>, %arg14: memref<157x64xf32, #tpu.memory_space<vmem>>, %arg15: memref<2512xf32, #tpu.memory_space<vmem>>, %arg16: memref<128xf32, #tpu.memory_space<vmem>>, %arg17: memref<10048x64xf32, #tpu.memory_space<vmem_shared>>, %arg18: memref<10048xf32, #tpu.memory_space<vmem_shared>>, %arg19: memref<!tpu.dma_semaphore, #tpu.memory_space<semaphore_mem>>) attributes {dimension_semantics = [#tpu.dimension_semantics<core_parallel>, #tpu.dimension_semantics<subcore_parallel>], iteration_bounds = array<i64: 2, 16>, scalar_prefetch = 0 : i64, scratch_operands = 10 : i64, tpu.core_type = #tpu.core_type<sc_vector_subcore>, window_params = [{transform_indices = #map}, {transform_indices = #map1}, {transform_indices = #map1}, {transform_indices = #map}, {transform_indices = #map2}, {transform_indices = #map2}, {transform_indices = #map3}, {transform_indices = #map}]} {
    "tpu.region"() ({
      %run_scoped3A_60 = tpu.sem_alloc : memref<!tpu.dma_semaphore, #tpu.memory_space<semaphore_mem>>
      tpu.enqueue_dma source(%arg5 : memref<157x64xf32, #tpu.memory_space<hbm>>) target(%arg14 : memref<157x64xf32, #tpu.memory_space<vmem>>) target_semaphore(%run_scoped3A_60 : memref<!tpu.dma_semaphore, #tpu.memory_space<semaphore_mem>>)
      tpu.wait_dma2 semaphore(%run_scoped3A_60 : memref<!tpu.dma_semaphore, #tpu.memory_space<semaphore_mem>>) src(%arg5 : memref<157x64xf32, #tpu.memory_space<hbm>>) dst(%arg14 : memref<157x64xf32, #tpu.memory_space<vmem>>)
      tpu.yield
    }) : () -> ()
    "tpu.region"() ({
      %run_scoped3A_60 = tpu.sem_alloc : memref<!tpu.dma_semaphore, #tpu.memory_space<semaphore_mem>>
      tpu.enqueue_dma source(%arg6 : memref<2512xf32, #tpu.memory_space<hbm>>) target(%arg15 : memref<2512xf32, #tpu.memory_space<vmem>>) target_semaphore(%run_scoped3A_60 : memref<!tpu.dma_semaphore, #tpu.memory_space<semaphore_mem>>)
      tpu.wait_dma2 semaphore(%run_scoped3A_60 : memref<!tpu.dma_semaphore, #tpu.memory_space<semaphore_mem>>) src(%arg6 : memref<2512xf32, #tpu.memory_space<hbm>>) dst(%arg15 : memref<2512xf32, #tpu.memory_space<vmem>>)
      tpu.yield
    }) : () -> ()
    "tpu.region"() ({
      %run_scoped3A_60 = tpu.sem_alloc : memref<!tpu.dma_semaphore, #tpu.memory_space<semaphore_mem>>
      tpu.enqueue_dma source(%arg7 : memref<128xf32, #tpu.memory_space<hbm>>) target(%arg16 : memref<128xf32, #tpu.memory_space<vmem>>) target_semaphore(%run_scoped3A_60 : memref<!tpu.dma_semaphore, #tpu.memory_space<semaphore_mem>>)
      tpu.wait_dma2 semaphore(%run_scoped3A_60 : memref<!tpu.dma_semaphore, #tpu.memory_space<semaphore_mem>>) src(%arg7 : memref<128xf32, #tpu.memory_space<hbm>>) dst(%arg16 : memref<128xf32, #tpu.memory_space<vmem>>)
      tpu.yield
    }) : () -> ()
    %mul3A = arith.constant 628 : i32
    %mul3A_0 = arith.muli %arg1, %mul3A : i32
    %add3A = arith.constant 0 : i32
    %add3A_1 = arith.addi %mul3A_0, %add3A : i32
    "tpu.region"() ({
      %run_scoped3A_60 = tpu.sem_alloc : memref<!tpu.dma_semaphore, #tpu.memory_space<semaphore_mem>>
      %dma_start3A = arith.constant 0 : i32
      %dma_start3A_61 = tpu.memref_slice %arg17[%add3A_1, %dma_start3A] : memref<10048x64xf32, #tpu.memory_space<vmem_shared>> -> memref<157x64xf32, #tpu.memory_space<vmem_shared>>
      %dma_start3A_62 = arith.constant 0 : i32
      %dma_start3A_63 = tpu.memref_slice %arg17[%add3A_1, %dma_start3A_62] : memref<10048x64xf32, #tpu.memory_space<vmem_shared>> -> memref<157x64xf32, #tpu.memory_space<vmem_shared>>
      tpu.enqueue_dma source(%arg14 : memref<157x64xf32, #tpu.memory_space<vmem>>) target(%dma_start3A_63 : memref<157x64xf32, #tpu.memory_space<vmem_shared>>) target_semaphore(%run_scoped3A_60 : memref<!tpu.dma_semaphore, #tpu.memory_space<semaphore_mem>>)
      %dma_wait3A = arith.constant 0 : i32
      %dma_wait3A_64 = tpu.memref_slice %arg17[%add3A_1, %dma_wait3A] : memref<10048x64xf32, #tpu.memory_space<vmem_shared>> -> memref<157x64xf32, #tpu.memory_space<vmem_shared>>
      %dma_wait3A_65 = arith.constant 0 : i32
      %dma_wait3A_66 = tpu.memref_slice %arg17[%add3A_1, %dma_wait3A_65] : memref<10048x64xf32, #tpu.memory_space<vmem_shared>> -> memref<157x64xf32, #tpu.memory_space<vmem_shared>>
      tpu.wait_dma2 semaphore(%run_scoped3A_60 : memref<!tpu.dma_semaphore, #tpu.memory_space<semaphore_mem>>) src(%arg14 : memref<157x64xf32, #tpu.memory_space<vmem>>) dst(%dma_wait3A_66 : memref<157x64xf32, #tpu.memory_space<vmem_shared>>)
      tpu.yield
    }) : () -> ()
    %add3A_2 = arith.constant 157 : i32
    %add3A_3 = arith.addi %mul3A_0, %add3A_2 : i32
    "tpu.region"() ({
      %run_scoped3A_60 = tpu.sem_alloc : memref<!tpu.dma_semaphore, #tpu.memory_space<semaphore_mem>>
      %dma_start3A = arith.constant 0 : i32
      %dma_start3A_61 = tpu.memref_slice %arg17[%add3A_3, %dma_start3A] : memref<10048x64xf32, #tpu.memory_space<vmem_shared>> -> memref<157x64xf32, #tpu.memory_space<vmem_shared>>
      %dma_start3A_62 = arith.constant 0 : i32
      %dma_start3A_63 = tpu.memref_slice %arg17[%add3A_3, %dma_start3A_62] : memref<10048x64xf32, #tpu.memory_space<vmem_shared>> -> memref<157x64xf32, #tpu.memory_space<vmem_shared>>
      tpu.enqueue_dma source(%arg14 : memref<157x64xf32, #tpu.memory_space<vmem>>) target(%dma_start3A_63 : memref<157x64xf32, #tpu.memory_space<vmem_shared>>) target_semaphore(%run_scoped3A_60 : memref<!tpu.dma_semaphore, #tpu.memory_space<semaphore_mem>>)
      %dma_wait3A = arith.constant 0 : i32
      %dma_wait3A_64 = tpu.memref_slice %arg17[%add3A_3, %dma_wait3A] : memref<10048x64xf32, #tpu.memory_space<vmem_shared>> -> memref<157x64xf32, #tpu.memory_space<vmem_shared>>
      %dma_wait3A_65 = arith.constant 0 : i32
      %dma_wait3A_66 = tpu.memref_slice %arg17[%add3A_3, %dma_wait3A_65] : memref<10048x64xf32, #tpu.memory_space<vmem_shared>> -> memref<157x64xf32, #tpu.memory_space<vmem_shared>>
      tpu.wait_dma2 semaphore(%run_scoped3A_60 : memref<!tpu.dma_semaphore, #tpu.memory_space<semaphore_mem>>) src(%arg14 : memref<157x64xf32, #tpu.memory_space<vmem>>) dst(%dma_wait3A_66 : memref<157x64xf32, #tpu.memory_space<vmem_shared>>)
      tpu.yield
    }) : () -> ()
    %add3A_4 = arith.constant 314 : i32
    %add3A_5 = arith.addi %mul3A_0, %add3A_4 : i32
    "tpu.region"() ({
      %run_scoped3A_60 = tpu.sem_alloc : memref<!tpu.dma_semaphore, #tpu.memory_space<semaphore_mem>>
      %dma_start3A = arith.constant 0 : i32
      %dma_start3A_61 = tpu.memref_slice %arg17[%add3A_5, %dma_start3A] : memref<10048x64xf32, #tpu.memory_space<vmem_shared>> -> memref<157x64xf32, #tpu.memory_space<vmem_shared>>
      %dma_start3A_62 = arith.constant 0 : i32
      %dma_start3A_63 = tpu.memref_slice %arg17[%add3A_5, %dma_start3A_62] : memref<10048x64xf32, #tpu.memory_space<vmem_shared>> -> memref<157x64xf32, #tpu.memory_space<vmem_shared>>
      tpu.enqueue_dma source(%arg14 : memref<157x64xf32, #tpu.memory_space<vmem>>) target(%dma_start3A_63 : memref<157x64xf32, #tpu.memory_space<vmem_shared>>) target_semaphore(%run_scoped3A_60 : memref<!tpu.dma_semaphore, #tpu.memory_space<semaphore_mem>>)
      %dma_wait3A = arith.constant 0 : i32
      %dma_wait3A_64 = tpu.memref_slice %arg17[%add3A_5, %dma_wait3A] : memref<10048x64xf32, #tpu.memory_space<vmem_shared>> -> memref<157x64xf32, #tpu.memory_space<vmem_shared>>
      %dma_wait3A_65 = arith.constant 0 : i32
      %dma_wait3A_66 = tpu.memref_slice %arg17[%add3A_5, %dma_wait3A_65] : memref<10048x64xf32, #tpu.memory_space<vmem_shared>> -> memref<157x64xf32, #tpu.memory_space<vmem_shared>>
      tpu.wait_dma2 semaphore(%run_scoped3A_60 : memref<!tpu.dma_semaphore, #tpu.memory_space<semaphore_mem>>) src(%arg14 : memref<157x64xf32, #tpu.memory_space<vmem>>) dst(%dma_wait3A_66 : memref<157x64xf32, #tpu.memory_space<vmem_shared>>)
      tpu.yield
    }) : () -> ()
    %add3A_6 = arith.constant 471 : i32
    %add3A_7 = arith.addi %mul3A_0, %add3A_6 : i32
    "tpu.region"() ({
      %run_scoped3A_60 = tpu.sem_alloc : memref<!tpu.dma_semaphore, #tpu.memory_space<semaphore_mem>>
      %dma_start3A = arith.constant 0 : i32
      %dma_start3A_61 = tpu.memref_slice %arg17[%add3A_7, %dma_start3A] : memref<10048x64xf32, #tpu.memory_space<vmem_shared>> -> memref<157x64xf32, #tpu.memory_space<vmem_shared>>
      %dma_start3A_62 = arith.constant 0 : i32
      %dma_start3A_63 = tpu.memref_slice %arg17[%add3A_7, %dma_start3A_62] : memref<10048x64xf32, #tpu.memory_space<vmem_shared>> -> memref<157x64xf32, #tpu.memory_space<vmem_shared>>
      tpu.enqueue_dma source(%arg14 : memref<157x64xf32, #tpu.memory_space<vmem>>) target(%dma_start3A_63 : memref<157x64xf32, #tpu.memory_space<vmem_shared>>) target_semaphore(%run_scoped3A_60 : memref<!tpu.dma_semaphore, #tpu.memory_space<semaphore_mem>>)
      %dma_wait3A = arith.constant 0 : i32
      %dma_wait3A_64 = tpu.memref_slice %arg17[%add3A_7, %dma_wait3A] : memref<10048x64xf32, #tpu.memory_space<vmem_shared>> -> memref<157x64xf32, #tpu.memory_space<vmem_shared>>
      %dma_wait3A_65 = arith.constant 0 : i32
      %dma_wait3A_66 = tpu.memref_slice %arg17[%add3A_7, %dma_wait3A_65] : memref<10048x64xf32, #tpu.memory_space<vmem_shared>> -> memref<157x64xf32, #tpu.memory_space<vmem_shared>>
      tpu.wait_dma2 semaphore(%run_scoped3A_60 : memref<!tpu.dma_semaphore, #tpu.memory_space<semaphore_mem>>) src(%arg14 : memref<157x64xf32, #tpu.memory_space<vmem>>) dst(%dma_wait3A_66 : memref<157x64xf32, #tpu.memory_space<vmem_shared>>)
      tpu.yield
    }) : () -> ()
    %eq3A = arith.constant 0 : i32
    %eq3A_8 = arith.cmpi eq, %arg1, %eq3A : i32
    %convert_element_type3A = arith.extui %eq3A_8 : i1 to i32
    %cond3A = arith.constant 0 : i32
    %cond3A_9 = arith.cmpi ne, %convert_element_type3A, %cond3A : i32
    scf.if %cond3A_9 {
      "tpu.region"() ({
        %run_scoped3A_60 = tpu.sem_alloc : memref<!tpu.dma_semaphore, #tpu.memory_space<semaphore_mem>>
        %dma_start3A = arith.constant 0 : i32
        %dma_start3A_61 = tpu.memref_slice %arg18[%dma_start3A] : memref<10048xf32, #tpu.memory_space<vmem_shared>> -> memref<2512xf32, #tpu.memory_space<vmem_shared>>
        %dma_start3A_62 = arith.constant 0 : i32
        %dma_start3A_63 = tpu.memref_slice %arg18[%dma_start3A_62] : memref<10048xf32, #tpu.memory_space<vmem_shared>> -> memref<2512xf32, #tpu.memory_space<vmem_shared>>
        tpu.enqueue_dma source(%arg15 : memref<2512xf32, #tpu.memory_space<vmem>>) target(%dma_start3A_63 : memref<2512xf32, #tpu.memory_space<vmem_shared>>) target_semaphore(%run_scoped3A_60 : memref<!tpu.dma_semaphore, #tpu.memory_space<semaphore_mem>>)
        %dma_wait3A = arith.constant 0 : i32
        %dma_wait3A_64 = tpu.memref_slice %arg18[%dma_wait3A] : memref<10048xf32, #tpu.memory_space<vmem_shared>> -> memref<2512xf32, #tpu.memory_space<vmem_shared>>
        %dma_wait3A_65 = arith.constant 0 : i32
        %dma_wait3A_66 = tpu.memref_slice %arg18[%dma_wait3A_65] : memref<10048xf32, #tpu.memory_space<vmem_shared>> -> memref<2512xf32, #tpu.memory_space<vmem_shared>>
        tpu.wait_dma2 semaphore(%run_scoped3A_60 : memref<!tpu.dma_semaphore, #tpu.memory_space<semaphore_mem>>) src(%arg15 : memref<2512xf32, #tpu.memory_space<vmem>>) dst(%dma_wait3A_66 : memref<2512xf32, #tpu.memory_space<vmem_shared>>)
        tpu.yield
      }) : () -> ()
      "tpu.region"() ({
        %run_scoped3A_60 = tpu.sem_alloc : memref<!tpu.dma_semaphore, #tpu.memory_space<semaphore_mem>>
        %dma_start3A = arith.constant 2512 : i32
        %dma_start3A_61 = tpu.memref_slice %arg18[%dma_start3A] : memref<10048xf32, #tpu.memory_space<vmem_shared>> -> memref<2512xf32, #tpu.memory_space<vmem_shared>>
        %dma_start3A_62 = arith.constant 2512 : i32
        %dma_start3A_63 = tpu.memref_slice %arg18[%dma_start3A_62] : memref<10048xf32, #tpu.memory_space<vmem_shared>> -> memref<2512xf32, #tpu.memory_space<vmem_shared>>
        tpu.enqueue_dma source(%arg15 : memref<2512xf32, #tpu.memory_space<vmem>>) target(%dma_start3A_63 : memref<2512xf32, #tpu.memory_space<vmem_shared>>) target_semaphore(%run_scoped3A_60 : memref<!tpu.dma_semaphore, #tpu.memory_space<semaphore_mem>>)
        %dma_wait3A = arith.constant 2512 : i32
        %dma_wait3A_64 = tpu.memref_slice %arg18[%dma_wait3A] : memref<10048xf32, #tpu.memory_space<vmem_shared>> -> memref<2512xf32, #tpu.memory_space<vmem_shared>>
        %dma_wait3A_65 = arith.constant 2512 : i32
        %dma_wait3A_66 = tpu.memref_slice %arg18[%dma_wait3A_65] : memref<10048xf32, #tpu.memory_space<vmem_shared>> -> memref<2512xf32, #tpu.memory_space<vmem_shared>>
        tpu.wait_dma2 semaphore(%run_scoped3A_60 : memref<!tpu.dma_semaphore, #tpu.memory_space<semaphore_mem>>) src(%arg15 : memref<2512xf32, #tpu.memory_space<vmem>>) dst(%dma_wait3A_66 : memref<2512xf32, #tpu.memory_space<vmem_shared>>)
        tpu.yield
      }) : () -> ()
      "tpu.region"() ({
        %run_scoped3A_60 = tpu.sem_alloc : memref<!tpu.dma_semaphore, #tpu.memory_space<semaphore_mem>>
        %dma_start3A = arith.constant 5024 : i32
        %dma_start3A_61 = tpu.memref_slice %arg18[%dma_start3A] : memref<10048xf32, #tpu.memory_space<vmem_shared>> -> memref<2512xf32, #tpu.memory_space<vmem_shared>>
        %dma_start3A_62 = arith.constant 5024 : i32
        %dma_start3A_63 = tpu.memref_slice %arg18[%dma_start3A_62] : memref<10048xf32, #tpu.memory_space<vmem_shared>> -> memref<2512xf32, #tpu.memory_space<vmem_shared>>
        tpu.enqueue_dma source(%arg15 : memref<2512xf32, #tpu.memory_space<vmem>>) target(%dma_start3A_63 : memref<2512xf32, #tpu.memory_space<vmem_shared>>) target_semaphore(%run_scoped3A_60 : memref<!tpu.dma_semaphore, #tpu.memory_space<semaphore_mem>>)
        %dma_wait3A = arith.constant 5024 : i32
        %dma_wait3A_64 = tpu.memref_slice %arg18[%dma_wait3A] : memref<10048xf32, #tpu.memory_space<vmem_shared>> -> memref<2512xf32, #tpu.memory_space<vmem_shared>>
        %dma_wait3A_65 = arith.constant 5024 : i32
        %dma_wait3A_66 = tpu.memref_slice %arg18[%dma_wait3A_65] : memref<10048xf32, #tpu.memory_space<vmem_shared>> -> memref<2512xf32, #tpu.memory_space<vmem_shared>>
        tpu.wait_dma2 semaphore(%run_scoped3A_60 : memref<!tpu.dma_semaphore, #tpu.memory_space<semaphore_mem>>) src(%arg15 : memref<2512xf32, #tpu.memory_space<vmem>>) dst(%dma_wait3A_66 : memref<2512xf32, #tpu.memory_space<vmem_shared>>)
        tpu.yield
      }) : () -> ()
      "tpu.region"() ({
        %run_scoped3A_60 = tpu.sem_alloc : memref<!tpu.dma_semaphore, #tpu.memory_space<semaphore_mem>>
        %dma_start3A = arith.constant 7536 : i32
        %dma_start3A_61 = tpu.memref_slice %arg18[%dma_start3A] : memref<10048xf32, #tpu.memory_space<vmem_shared>> -> memref<2512xf32, #tpu.memory_space<vmem_shared>>
        %dma_start3A_62 = arith.constant 7536 : i32
        %dma_start3A_63 = tpu.memref_slice %arg18[%dma_start3A_62] : memref<10048xf32, #tpu.memory_space<vmem_shared>> -> memref<2512xf32, #tpu.memory_space<vmem_shared>>
        tpu.enqueue_dma source(%arg15 : memref<2512xf32, #tpu.memory_space<vmem>>) target(%dma_start3A_63 : memref<2512xf32, #tpu.memory_space<vmem_shared>>) target_semaphore(%run_scoped3A_60 : memref<!tpu.dma_semaphore, #tpu.memory_space<semaphore_mem>>)
        %dma_wait3A = arith.constant 7536 : i32
        %dma_wait3A_64 = tpu.memref_slice %arg18[%dma_wait3A] : memref<10048xf32, #tpu.memory_space<vmem_shared>> -> memref<2512xf32, #tpu.memory_space<vmem_shared>>
        %dma_wait3A_65 = arith.constant 7536 : i32
        %dma_wait3A_66 = tpu.memref_slice %arg18[%dma_wait3A_65] : memref<10048xf32, #tpu.memory_space<vmem_shared>> -> memref<2512xf32, #tpu.memory_space<vmem_shared>>
        tpu.wait_dma2 semaphore(%run_scoped3A_60 : memref<!tpu.dma_semaphore, #tpu.memory_space<semaphore_mem>>) src(%arg15 : memref<2512xf32, #tpu.memory_space<vmem>>) dst(%dma_wait3A_66 : memref<2512xf32, #tpu.memory_space<vmem_shared>>)
        tpu.yield
      }) : () -> ()
    } else {
    }
    %barrier3A = arith.constant 0 : index
    tpu.barrier barrier_id(%barrier3A)
    %run_scoped3A = arith.constant 0 : i32
    "tpu.region"() ({
      %run_scoped3A_60 = tpu.sem_alloc : memref<!tpu.dma_semaphore, #tpu.memory_space<semaphore_mem>>
      %dma_start3A = arith.constant 0 : i32
      %dma_start3A_61 = arith.constant 0 : i32
      %dma_start3A_62 = tpu.memref_slice %arg4[%arg0, %run_scoped3A, %arg1, %dma_start3A, %dma_start3A_61] : memref<2x2x16x157x128xi32, #tpu.memory_space<hbm>> -> memref<1x1x1x157x128xi32, #tpu.memory_space<hbm>>
      %dma_start3A_63 = tpu.memref_squeeze %dma_start3A_62 : memref<1x1x1x157x128xi32, #tpu.memory_space<hbm>> -> memref<157x128xi32, #tpu.memory_space<hbm>>
      %dma_start3A_64 = arith.constant 0 : i32
      %dma_start3A_65 = arith.constant 0 : i32
      %dma_start3A_66 = tpu.memref_slice %arg4[%arg0, %run_scoped3A, %arg1, %dma_start3A_64, %dma_start3A_65] : memref<2x2x16x157x128xi32, #tpu.memory_space<hbm>> -> memref<1x1x1x157x128xi32, #tpu.memory_space<hbm>>
      %dma_start3A_67 = tpu.memref_squeeze %dma_start3A_66 : memref<1x1x1x157x128xi32, #tpu.memory_space<hbm>> -> memref<157x128xi32, #tpu.memory_space<hbm>>
      tpu.enqueue_dma source(%dma_start3A_67 : memref<157x128xi32, #tpu.memory_space<hbm>>) target(%arg10 : memref<157x128xi32, #tpu.memory_space<vmem>>) target_semaphore(%run_scoped3A_60 : memref<!tpu.dma_semaphore, #tpu.memory_space<semaphore_mem>>)
      %dma_wait3A = arith.constant 0 : i32
      %dma_wait3A_68 = arith.constant 0 : i32
      %dma_wait3A_69 = tpu.memref_slice %arg4[%arg0, %run_scoped3A, %arg1, %dma_wait3A, %dma_wait3A_68] : memref<2x2x16x157x128xi32, #tpu.memory_space<hbm>> -> memref<1x1x1x157x128xi32, #tpu.memory_space<hbm>>
      %dma_wait3A_70 = tpu.memref_squeeze %dma_wait3A_69 : memref<1x1x1x157x128xi32, #tpu.memory_space<hbm>> -> memref<157x128xi32, #tpu.memory_space<hbm>>
      %dma_wait3A_71 = arith.constant 0 : i32
      %dma_wait3A_72 = arith.constant 0 : i32
      %dma_wait3A_73 = tpu.memref_slice %arg4[%arg0, %run_scoped3A, %arg1, %dma_wait3A_71, %dma_wait3A_72] : memref<2x2x16x157x128xi32, #tpu.memory_space<hbm>> -> memref<1x1x1x157x128xi32, #tpu.memory_space<hbm>>
      %dma_wait3A_74 = tpu.memref_squeeze %dma_wait3A_73 : memref<1x1x1x157x128xi32, #tpu.memory_space<hbm>> -> memref<157x128xi32, #tpu.memory_space<hbm>>
      tpu.wait_dma2 semaphore(%run_scoped3A_60 : memref<!tpu.dma_semaphore, #tpu.memory_space<semaphore_mem>>) src(%dma_wait3A_74 : memref<157x128xi32, #tpu.memory_space<hbm>>) dst(%arg10 : memref<157x128xi32, #tpu.memory_space<vmem>>)
      tpu.yield
    }) : () -> ()
    %run_scoped3A_10 = arith.constant 0 : i32
    %run_scoped3A_11 = arith.constant 1 : i32
    "tpu.region"() ({
      %run_scoped3A_60 = tpu.sem_alloc : memref<!tpu.dma_semaphore, #tpu.memory_space<semaphore_mem>>
      %dma_start3A = arith.constant 0 : i32
      %dma_start3A_61 = arith.constant 0 : i32
      %dma_start3A_62 = tpu.memref_slice %arg3[%run_scoped3A_10, %run_scoped3A_11, %arg1, %dma_start3A, %dma_start3A_61] : memref<2x2x16x157x128xi32, #tpu.memory_space<hbm>> -> memref<1x1x1x157x128xi32, #tpu.memory_space<hbm>>
      %dma_start3A_63 = tpu.memref_squeeze %dma_start3A_62 : memref<1x1x1x157x128xi32, #tpu.memory_space<hbm>> -> memref<157x128xi32, #tpu.memory_space<hbm>>
      %dma_start3A_64 = arith.constant 0 : i32
      %dma_start3A_65 = arith.constant 0 : i32
      %dma_start3A_66 = tpu.memref_slice %arg3[%run_scoped3A_10, %run_scoped3A_11, %arg1, %dma_start3A_64, %dma_start3A_65] : memref<2x2x16x157x128xi32, #tpu.memory_space<hbm>> -> memref<1x1x1x157x128xi32, #tpu.memory_space<hbm>>
      %dma_start3A_67 = tpu.memref_squeeze %dma_start3A_66 : memref<1x1x1x157x128xi32, #tpu.memory_space<hbm>> -> memref<157x128xi32, #tpu.memory_space<hbm>>
      tpu.enqueue_dma source(%dma_start3A_67 : memref<157x128xi32, #tpu.memory_space<hbm>>) target(%arg11 : memref<157x128xi32, #tpu.memory_space<vmem>>) target_semaphore(%run_scoped3A_60 : memref<!tpu.dma_semaphore, #tpu.memory_space<semaphore_mem>>)
      %dma_wait3A = arith.constant 0 : i32
      %dma_wait3A_68 = arith.constant 0 : i32
      %dma_wait3A_69 = tpu.memref_slice %arg3[%run_scoped3A_10, %run_scoped3A_11, %arg1, %dma_wait3A, %dma_wait3A_68] : memref<2x2x16x157x128xi32, #tpu.memory_space<hbm>> -> memref<1x1x1x157x128xi32, #tpu.memory_space<hbm>>
      %dma_wait3A_70 = tpu.memref_squeeze %dma_wait3A_69 : memref<1x1x1x157x128xi32, #tpu.memory_space<hbm>> -> memref<157x128xi32, #tpu.memory_space<hbm>>
      %dma_wait3A_71 = arith.constant 0 : i32
      %dma_wait3A_72 = arith.constant 0 : i32
      %dma_wait3A_73 = tpu.memref_slice %arg3[%run_scoped3A_10, %run_scoped3A_11, %arg1, %dma_wait3A_71, %dma_wait3A_72] : memref<2x2x16x157x128xi32, #tpu.memory_space<hbm>> -> memref<1x1x1x157x128xi32, #tpu.memory_space<hbm>>
      %dma_wait3A_74 = tpu.memref_squeeze %dma_wait3A_73 : memref<1x1x1x157x128xi32, #tpu.memory_space<hbm>> -> memref<157x128xi32, #tpu.memory_space<hbm>>
      tpu.wait_dma2 semaphore(%run_scoped3A_60 : memref<!tpu.dma_semaphore, #tpu.memory_space<semaphore_mem>>) src(%dma_wait3A_74 : memref<157x128xi32, #tpu.memory_space<hbm>>) dst(%arg11 : memref<157x128xi32, #tpu.memory_space<vmem>>)
      tpu.yield
    }) : () -> ()
    %scan3A = arith.constant 0 : i32
    %scan3A_12 = arith.constant 0 : i32
    %scan3A_13 = arith.constant 157 : i32
    %scan3A_14 = arith.addi %scan3A_12, %scan3A_13 : i32
    %scan3A_15 = arith.constant 1 : i32
    scf.for %scan3A_60 = %scan3A_12 to %scan3A_14 step %scan3A_15  : i32 {
      %dma_start3A = arith.constant 0 : i32
      %dma_start3A_61 = tpu.memref_slice %arg10[%scan3A_60, %dma_start3A] : memref<157x128xi32, #tpu.memory_space<vmem>> -> memref<1x128xi32, #tpu.memory_space<vmem>>
      %dma_start3A_62 = tpu.memref_squeeze %dma_start3A_61 : memref<1x128xi32, #tpu.memory_space<vmem>> -> memref<128xi32, #tpu.memory_space<vmem>>
      %dma_start3A_63 = arith.constant 0 : i32
      %dma_start3A_64 = arith.constant 0 : i32
      %dma_start3A_65 = tpu.memref_slice %arg2[%dma_start3A_63, %dma_start3A_64] : memref<40960x64xf32, #tpu.memory_space<hbm>> -> memref<40960x64xf32, #tpu.memory_space<hbm>>
      tpu.enqueue_indirect_dma source(%dma_start3A_65 : memref<40960x64xf32, #tpu.memory_space<hbm>>) target(%arg13 : memref<128x64xf32, #tpu.memory_space<vmem>>) offsets(%dma_start3A_62 : memref<128xi32, #tpu.memory_space<vmem>>) semaphore(%arg19 : memref<!tpu.dma_semaphore, #tpu.memory_space<semaphore_mem>>)
      %dma_wait3A = arith.constant 0 : i32
      %dma_wait3A_66 = tpu.memref_slice %arg10[%scan3A_60, %dma_wait3A] : memref<157x128xi32, #tpu.memory_space<vmem>> -> memref<1x128xi32, #tpu.memory_space<vmem>>
      %dma_wait3A_67 = tpu.memref_squeeze %dma_wait3A_66 : memref<1x128xi32, #tpu.memory_space<vmem>> -> memref<128xi32, #tpu.memory_space<vmem>>
      %dma_wait3A_68 = arith.constant 0 : i32
      %dma_wait3A_69 = arith.constant 0 : i32
      %dma_wait3A_70 = tpu.memref_slice %arg2[%dma_wait3A_68, %dma_wait3A_69] : memref<40960x64xf32, #tpu.memory_space<hbm>> -> memref<40960x64xf32, #tpu.memory_space<hbm>>
      tpu.wait_indirect_dma semaphore(%arg19 : memref<!tpu.dma_semaphore, #tpu.memory_space<semaphore_mem>>) src(%dma_wait3A_70 : memref<40960x64xf32, #tpu.memory_space<hbm>>) dst(%arg13 : memref<128x64xf32, #tpu.memory_space<vmem>>)
      "tpu.region"() ({
        %run_scoped3A_71 = tpu.sem_alloc : memref<!tpu.dma_semaphore, #tpu.memory_space<semaphore_mem>>
        %dma_start3A_72 = arith.constant 0 : i32
        %dma_start3A_73 = tpu.memref_slice %arg11[%scan3A_60, %dma_start3A_72] : memref<157x128xi32, #tpu.memory_space<vmem>> -> memref<1x128xi32, #tpu.memory_space<vmem>>
        %dma_start3A_74 = tpu.memref_squeeze %dma_start3A_73 : memref<1x128xi32, #tpu.memory_space<vmem>> -> memref<128xi32, #tpu.memory_space<vmem>>
        %dma_start3A_75 = arith.constant 0 : i32
        %dma_start3A_76 = arith.constant 0 : i32
        %dma_start3A_77 = tpu.memref_slice %arg17[%dma_start3A_75, %dma_start3A_76] : memref<10048x64xf32, #tpu.memory_space<vmem_shared>> -> memref<10048x64xf32, #tpu.memory_space<vmem_shared>>
        tpu.enqueue_indirect_dma source(%arg13 : memref<128x64xf32, #tpu.memory_space<vmem>>) target(%dma_start3A_77 : memref<10048x64xf32, #tpu.memory_space<vmem_shared>>) offsets(%dma_start3A_74 : memref<128xi32, #tpu.memory_space<vmem>>) semaphore(%run_scoped3A_71 : memref<!tpu.dma_semaphore, #tpu.memory_space<semaphore_mem>>) {add = true}
        %dma_wait3A_78 = arith.constant 0 : i32
        %dma_wait3A_79 = tpu.memref_slice %arg11[%scan3A_60, %dma_wait3A_78] : memref<157x128xi32, #tpu.memory_space<vmem>> -> memref<1x128xi32, #tpu.memory_space<vmem>>
        %dma_wait3A_80 = tpu.memref_squeeze %dma_wait3A_79 : memref<1x128xi32, #tpu.memory_space<vmem>> -> memref<128xi32, #tpu.memory_space<vmem>>
        %dma_wait3A_81 = arith.constant 0 : i32
        %dma_wait3A_82 = arith.constant 0 : i32
        %dma_wait3A_83 = tpu.memref_slice %arg17[%dma_wait3A_81, %dma_wait3A_82] : memref<10048x64xf32, #tpu.memory_space<vmem_shared>> -> memref<10048x64xf32, #tpu.memory_space<vmem_shared>>
        tpu.wait_indirect_dma semaphore(%run_scoped3A_71 : memref<!tpu.dma_semaphore, #tpu.memory_space<semaphore_mem>>) src(%arg13 : memref<128x64xf32, #tpu.memory_space<vmem>>) dst(%dma_wait3A_83 : memref<10048x64xf32, #tpu.memory_space<vmem_shared>>)
        tpu.yield
      }) : () -> ()
    }
    %scan3A_16 = arith.constant 157 : i32
    %eq3A_17 = arith.constant 0 : i32
    %eq3A_18 = arith.cmpi eq, %arg0, %eq3A_17 : i32
    %convert_element_type3A_19 = arith.extui %eq3A_18 : i1 to i32
    %cond3A_20 = arith.constant 0 : i32
    %cond3A_21 = arith.cmpi ne, %convert_element_type3A_19, %cond3A_20 : i32
    scf.if %cond3A_21 {
      %run_scoped3A_60 = arith.constant 0 : i32
      %run_scoped3A_61 = arith.constant 0 : i32
      "tpu.region"() ({
        %run_scoped3A_68 = tpu.sem_alloc : memref<!tpu.dma_semaphore, #tpu.memory_space<semaphore_mem>>
        %dma_start3A = arith.constant 0 : i32
        %dma_start3A_69 = arith.constant 0 : i32
        %dma_start3A_70 = tpu.memref_slice %arg3[%run_scoped3A_60, %run_scoped3A_61, %arg1, %dma_start3A, %dma_start3A_69] : memref<2x2x16x157x128xi32, #tpu.memory_space<hbm>> -> memref<1x1x1x157x128xi32, #tpu.memory_space<hbm>>
        %dma_start3A_71 = tpu.memref_squeeze %dma_start3A_70 : memref<1x1x1x157x128xi32, #tpu.memory_space<hbm>> -> memref<157x128xi32, #tpu.memory_space<hbm>>
        %dma_start3A_72 = arith.constant 0 : i32
        %dma_start3A_73 = arith.constant 0 : i32
        %dma_start3A_74 = tpu.memref_slice %arg3[%run_scoped3A_60, %run_scoped3A_61, %arg1, %dma_start3A_72, %dma_start3A_73] : memref<2x2x16x157x128xi32, #tpu.memory_space<hbm>> -> memref<1x1x1x157x128xi32, #tpu.memory_space<hbm>>
        %dma_start3A_75 = tpu.memref_squeeze %dma_start3A_74 : memref<1x1x1x157x128xi32, #tpu.memory_space<hbm>> -> memref<157x128xi32, #tpu.memory_space<hbm>>
        tpu.enqueue_dma source(%dma_start3A_75 : memref<157x128xi32, #tpu.memory_space<hbm>>) target(%arg12 : memref<157x128xi32, #tpu.memory_space<vmem>>) target_semaphore(%run_scoped3A_68 : memref<!tpu.dma_semaphore, #tpu.memory_space<semaphore_mem>>)
        %dma_wait3A = arith.constant 0 : i32
        %dma_wait3A_76 = arith.constant 0 : i32
        %dma_wait3A_77 = tpu.memref_slice %arg3[%run_scoped3A_60, %run_scoped3A_61, %arg1, %dma_wait3A, %dma_wait3A_76] : memref<2x2x16x157x128xi32, #tpu.memory_space<hbm>> -> memref<1x1x1x157x128xi32, #tpu.memory_space<hbm>>
        %dma_wait3A_78 = tpu.memref_squeeze %dma_wait3A_77 : memref<1x1x1x157x128xi32, #tpu.memory_space<hbm>> -> memref<157x128xi32, #tpu.memory_space<hbm>>
        %dma_wait3A_79 = arith.constant 0 : i32
        %dma_wait3A_80 = arith.constant 0 : i32
        %dma_wait3A_81 = tpu.memref_slice %arg3[%run_scoped3A_60, %run_scoped3A_61, %arg1, %dma_wait3A_79, %dma_wait3A_80] : memref<2x2x16x157x128xi32, #tpu.memory_space<hbm>> -> memref<1x1x1x157x128xi32, #tpu.memory_space<hbm>>
        %dma_wait3A_82 = tpu.memref_squeeze %dma_wait3A_81 : memref<1x1x1x157x128xi32, #tpu.memory_space<hbm>> -> memref<157x128xi32, #tpu.memory_space<hbm>>
        tpu.wait_dma2 semaphore(%run_scoped3A_68 : memref<!tpu.dma_semaphore, #tpu.memory_space<semaphore_mem>>) src(%dma_wait3A_82 : memref<157x128xi32, #tpu.memory_space<hbm>>) dst(%arg12 : memref<157x128xi32, #tpu.memory_space<vmem>>)
        tpu.yield
      }) : () -> ()
      %scan3A_62 = arith.constant 0 : i32
      %scan3A_63 = arith.constant 0 : i32
      %scan3A_64 = arith.constant 157 : i32
      %scan3A_65 = arith.addi %scan3A_63, %scan3A_64 : i32
      %scan3A_66 = arith.constant 1 : i32
      scf.for %scan3A_68 = %scan3A_63 to %scan3A_65 step %scan3A_66  : i32 {
        "tpu.region"() ({
          %run_scoped3A_69 = tpu.sem_alloc : memref<!tpu.dma_semaphore, #tpu.memory_space<semaphore_mem>>
          %dma_start3A = arith.constant 0 : i32
          %dma_start3A_70 = tpu.memref_slice %arg12[%scan3A_68, %dma_start3A] : memref<157x128xi32, #tpu.memory_space<vmem>> -> memref<1x128xi32, #tpu.memory_space<vmem>>
          %dma_start3A_71 = tpu.memref_squeeze %dma_start3A_70 : memref<1x128xi32, #tpu.memory_space<vmem>> -> memref<128xi32, #tpu.memory_space<vmem>>
          %dma_start3A_72 = arith.constant 0 : i32
          %dma_start3A_73 = tpu.memref_slice %arg18[%dma_start3A_72] : memref<10048xf32, #tpu.memory_space<vmem_shared>> -> memref<10048xf32, #tpu.memory_space<vmem_shared>>
          tpu.enqueue_indirect_dma source(%arg16 : memref<128xf32, #tpu.memory_space<vmem>>) target(%dma_start3A_73 : memref<10048xf32, #tpu.memory_space<vmem_shared>>) offsets(%dma_start3A_71 : memref<128xi32, #tpu.memory_space<vmem>>) semaphore(%run_scoped3A_69 : memref<!tpu.dma_semaphore, #tpu.memory_space<semaphore_mem>>) {add = true}
          %dma_wait3A = arith.constant 0 : i32
          %dma_wait3A_74 = tpu.memref_slice %arg12[%scan3A_68, %dma_wait3A] : memref<157x128xi32, #tpu.memory_space<vmem>> -> memref<1x128xi32, #tpu.memory_space<vmem>>
          %dma_wait3A_75 = tpu.memref_squeeze %dma_wait3A_74 : memref<1x128xi32, #tpu.memory_space<vmem>> -> memref<128xi32, #tpu.memory_space<vmem>>
          %dma_wait3A_76 = arith.constant 0 : i32
          %dma_wait3A_77 = tpu.memref_slice %arg18[%dma_wait3A_76] : memref<10048xf32, #tpu.memory_space<vmem_shared>> -> memref<10048xf32, #tpu.memory_space<vmem_shared>>
          tpu.wait_indirect_dma semaphore(%run_scoped3A_69 : memref<!tpu.dma_semaphore, #tpu.memory_space<semaphore_mem>>) src(%arg16 : memref<128xf32, #tpu.memory_space<vmem>>) dst(%dma_wait3A_77 : memref<10048xf32, #tpu.memory_space<vmem_shared>>)
          tpu.yield
        }) : () -> ()
      }
      %scan3A_67 = arith.constant 157 : i32
    } else {
    }
    %run_scoped3A_22 = arith.constant 1 : i32
    "tpu.region"() ({
      %run_scoped3A_60 = tpu.sem_alloc : memref<!tpu.dma_semaphore, #tpu.memory_space<semaphore_mem>>
      %dma_start3A = arith.constant 0 : i32
      %dma_start3A_61 = arith.constant 0 : i32
      %dma_start3A_62 = tpu.memref_slice %arg4[%arg0, %run_scoped3A_22, %arg1, %dma_start3A, %dma_start3A_61] : memref<2x2x16x157x128xi32, #tpu.memory_space<hbm>> -> memref<1x1x1x157x128xi32, #tpu.memory_space<hbm>>
      %dma_start3A_63 = tpu.memref_squeeze %dma_start3A_62 : memref<1x1x1x157x128xi32, #tpu.memory_space<hbm>> -> memref<157x128xi32, #tpu.memory_space<hbm>>
      %dma_start3A_64 = arith.constant 0 : i32
      %dma_start3A_65 = arith.constant 0 : i32
      %dma_start3A_66 = tpu.memref_slice %arg4[%arg0, %run_scoped3A_22, %arg1, %dma_start3A_64, %dma_start3A_65] : memref<2x2x16x157x128xi32, #tpu.memory_space<hbm>> -> memref<1x1x1x157x128xi32, #tpu.memory_space<hbm>>
      %dma_start3A_67 = tpu.memref_squeeze %dma_start3A_66 : memref<1x1x1x157x128xi32, #tpu.memory_space<hbm>> -> memref<157x128xi32, #tpu.memory_space<hbm>>
      tpu.enqueue_dma source(%dma_start3A_67 : memref<157x128xi32, #tpu.memory_space<hbm>>) target(%arg10 : memref<157x128xi32, #tpu.memory_space<vmem>>) target_semaphore(%run_scoped3A_60 : memref<!tpu.dma_semaphore, #tpu.memory_space<semaphore_mem>>)
      %dma_wait3A = arith.constant 0 : i32
      %dma_wait3A_68 = arith.constant 0 : i32
      %dma_wait3A_69 = tpu.memref_slice %arg4[%arg0, %run_scoped3A_22, %arg1, %dma_wait3A, %dma_wait3A_68] : memref<2x2x16x157x128xi32, #tpu.memory_space<hbm>> -> memref<1x1x1x157x128xi32, #tpu.memory_space<hbm>>
      %dma_wait3A_70 = tpu.memref_squeeze %dma_wait3A_69 : memref<1x1x1x157x128xi32, #tpu.memory_space<hbm>> -> memref<157x128xi32, #tpu.memory_space<hbm>>
      %dma_wait3A_71 = arith.constant 0 : i32
      %dma_wait3A_72 = arith.constant 0 : i32
      %dma_wait3A_73 = tpu.memref_slice %arg4[%arg0, %run_scoped3A_22, %arg1, %dma_wait3A_71, %dma_wait3A_72] : memref<2x2x16x157x128xi32, #tpu.memory_space<hbm>> -> memref<1x1x1x157x128xi32, #tpu.memory_space<hbm>>
      %dma_wait3A_74 = tpu.memref_squeeze %dma_wait3A_73 : memref<1x1x1x157x128xi32, #tpu.memory_space<hbm>> -> memref<157x128xi32, #tpu.memory_space<hbm>>
      tpu.wait_dma2 semaphore(%run_scoped3A_60 : memref<!tpu.dma_semaphore, #tpu.memory_space<semaphore_mem>>) src(%dma_wait3A_74 : memref<157x128xi32, #tpu.memory_space<hbm>>) dst(%arg10 : memref<157x128xi32, #tpu.memory_space<vmem>>)
      tpu.yield
    }) : () -> ()
    %run_scoped3A_23 = arith.constant 1 : i32
    %run_scoped3A_24 = arith.constant 1 : i32
    "tpu.region"() ({
      %run_scoped3A_60 = tpu.sem_alloc : memref<!tpu.dma_semaphore, #tpu.memory_space<semaphore_mem>>
      %dma_start3A = arith.constant 0 : i32
      %dma_start3A_61 = arith.constant 0 : i32
      %dma_start3A_62 = tpu.memref_slice %arg3[%run_scoped3A_23, %run_scoped3A_24, %arg1, %dma_start3A, %dma_start3A_61] : memref<2x2x16x157x128xi32, #tpu.memory_space<hbm>> -> memref<1x1x1x157x128xi32, #tpu.memory_space<hbm>>
      %dma_start3A_63 = tpu.memref_squeeze %dma_start3A_62 : memref<1x1x1x157x128xi32, #tpu.memory_space<hbm>> -> memref<157x128xi32, #tpu.memory_space<hbm>>
      %dma_start3A_64 = arith.constant 0 : i32
      %dma_start3A_65 = arith.constant 0 : i32
      %dma_start3A_66 = tpu.memref_slice %arg3[%run_scoped3A_23, %run_scoped3A_24, %arg1, %dma_start3A_64, %dma_start3A_65] : memref<2x2x16x157x128xi32, #tpu.memory_space<hbm>> -> memref<1x1x1x157x128xi32, #tpu.memory_space<hbm>>
      %dma_start3A_67 = tpu.memref_squeeze %dma_start3A_66 : memref<1x1x1x157x128xi32, #tpu.memory_space<hbm>> -> memref<157x128xi32, #tpu.memory_space<hbm>>
      tpu.enqueue_dma source(%dma_start3A_67 : memref<157x128xi32, #tpu.memory_space<hbm>>) target(%arg11 : memref<157x128xi32, #tpu.memory_space<vmem>>) target_semaphore(%run_scoped3A_60 : memref<!tpu.dma_semaphore, #tpu.memory_space<semaphore_mem>>)
      %dma_wait3A = arith.constant 0 : i32
      %dma_wait3A_68 = arith.constant 0 : i32
      %dma_wait3A_69 = tpu.memref_slice %arg3[%run_scoped3A_23, %run_scoped3A_24, %arg1, %dma_wait3A, %dma_wait3A_68] : memref<2x2x16x157x128xi32, #tpu.memory_space<hbm>> -> memref<1x1x1x157x128xi32, #tpu.memory_space<hbm>>
      %dma_wait3A_70 = tpu.memref_squeeze %dma_wait3A_69 : memref<1x1x1x157x128xi32, #tpu.memory_space<hbm>> -> memref<157x128xi32, #tpu.memory_space<hbm>>
      %dma_wait3A_71 = arith.constant 0 : i32
      %dma_wait3A_72 = arith.constant 0 : i32
      %dma_wait3A_73 = tpu.memref_slice %arg3[%run_scoped3A_23, %run_scoped3A_24, %arg1, %dma_wait3A_71, %dma_wait3A_72] : memref<2x2x16x157x128xi32, #tpu.memory_space<hbm>> -> memref<1x1x1x157x128xi32, #tpu.memory_space<hbm>>
      %dma_wait3A_74 = tpu.memref_squeeze %dma_wait3A_73 : memref<1x1x1x157x128xi32, #tpu.memory_space<hbm>> -> memref<157x128xi32, #tpu.memory_space<hbm>>
      tpu.wait_dma2 semaphore(%run_scoped3A_60 : memref<!tpu.dma_semaphore, #tpu.memory_space<semaphore_mem>>) src(%dma_wait3A_74 : memref<157x128xi32, #tpu.memory_space<hbm>>) dst(%arg11 : memref<157x128xi32, #tpu.memory_space<vmem>>)
      tpu.yield
    }) : () -> ()
    %scan3A_25 = arith.constant 0 : i32
    %scan3A_26 = arith.constant 0 : i32
    %scan3A_27 = arith.constant 157 : i32
    %scan3A_28 = arith.addi %scan3A_26, %scan3A_27 : i32
    %scan3A_29 = arith.constant 1 : i32
    scf.for %scan3A_60 = %scan3A_26 to %scan3A_28 step %scan3A_29  : i32 {
      %dma_start3A = arith.constant 0 : i32
      %dma_start3A_61 = tpu.memref_slice %arg10[%scan3A_60, %dma_start3A] : memref<157x128xi32, #tpu.memory_space<vmem>> -> memref<1x128xi32, #tpu.memory_space<vmem>>
      %dma_start3A_62 = tpu.memref_squeeze %dma_start3A_61 : memref<1x128xi32, #tpu.memory_space<vmem>> -> memref<128xi32, #tpu.memory_space<vmem>>
      %dma_start3A_63 = arith.constant 0 : i32
      %dma_start3A_64 = arith.constant 0 : i32
      %dma_start3A_65 = tpu.memref_slice %arg2[%dma_start3A_63, %dma_start3A_64] : memref<40960x64xf32, #tpu.memory_space<hbm>> -> memref<40960x64xf32, #tpu.memory_space<hbm>>
      tpu.enqueue_indirect_dma source(%dma_start3A_65 : memref<40960x64xf32, #tpu.memory_space<hbm>>) target(%arg13 : memref<128x64xf32, #tpu.memory_space<vmem>>) offsets(%dma_start3A_62 : memref<128xi32, #tpu.memory_space<vmem>>) semaphore(%arg19 : memref<!tpu.dma_semaphore, #tpu.memory_space<semaphore_mem>>)
      %dma_wait3A = arith.constant 0 : i32
      %dma_wait3A_66 = tpu.memref_slice %arg10[%scan3A_60, %dma_wait3A] : memref<157x128xi32, #tpu.memory_space<vmem>> -> memref<1x128xi32, #tpu.memory_space<vmem>>
      %dma_wait3A_67 = tpu.memref_squeeze %dma_wait3A_66 : memref<1x128xi32, #tpu.memory_space<vmem>> -> memref<128xi32, #tpu.memory_space<vmem>>
      %dma_wait3A_68 = arith.constant 0 : i32
      %dma_wait3A_69 = arith.constant 0 : i32
      %dma_wait3A_70 = tpu.memref_slice %arg2[%dma_wait3A_68, %dma_wait3A_69] : memref<40960x64xf32, #tpu.memory_space<hbm>> -> memref<40960x64xf32, #tpu.memory_space<hbm>>
      tpu.wait_indirect_dma semaphore(%arg19 : memref<!tpu.dma_semaphore, #tpu.memory_space<semaphore_mem>>) src(%dma_wait3A_70 : memref<40960x64xf32, #tpu.memory_space<hbm>>) dst(%arg13 : memref<128x64xf32, #tpu.memory_space<vmem>>)
      "tpu.region"() ({
        %run_scoped3A_71 = tpu.sem_alloc : memref<!tpu.dma_semaphore, #tpu.memory_space<semaphore_mem>>
        %dma_start3A_72 = arith.constant 0 : i32
        %dma_start3A_73 = tpu.memref_slice %arg11[%scan3A_60, %dma_start3A_72] : memref<157x128xi32, #tpu.memory_space<vmem>> -> memref<1x128xi32, #tpu.memory_space<vmem>>
        %dma_start3A_74 = tpu.memref_squeeze %dma_start3A_73 : memref<1x128xi32, #tpu.memory_space<vmem>> -> memref<128xi32, #tpu.memory_space<vmem>>
        %dma_start3A_75 = arith.constant 0 : i32
        %dma_start3A_76 = arith.constant 0 : i32
        %dma_start3A_77 = tpu.memref_slice %arg17[%dma_start3A_75, %dma_start3A_76] : memref<10048x64xf32, #tpu.memory_space<vmem_shared>> -> memref<10048x64xf32, #tpu.memory_space<vmem_shared>>
        tpu.enqueue_indirect_dma source(%arg13 : memref<128x64xf32, #tpu.memory_space<vmem>>) target(%dma_start3A_77 : memref<10048x64xf32, #tpu.memory_space<vmem_shared>>) offsets(%dma_start3A_74 : memref<128xi32, #tpu.memory_space<vmem>>) semaphore(%run_scoped3A_71 : memref<!tpu.dma_semaphore, #tpu.memory_space<semaphore_mem>>) {add = true}
        %dma_wait3A_78 = arith.constant 0 : i32
        %dma_wait3A_79 = tpu.memref_slice %arg11[%scan3A_60, %dma_wait3A_78] : memref<157x128xi32, #tpu.memory_space<vmem>> -> memref<1x128xi32, #tpu.memory_space<vmem>>
        %dma_wait3A_80 = tpu.memref_squeeze %dma_wait3A_79 : memref<1x128xi32, #tpu.memory_space<vmem>> -> memref<128xi32, #tpu.memory_space<vmem>>
        %dma_wait3A_81 = arith.constant 0 : i32
        %dma_wait3A_82 = arith.constant 0 : i32
        %dma_wait3A_83 = tpu.memref_slice %arg17[%dma_wait3A_81, %dma_wait3A_82] : memref<10048x64xf32, #tpu.memory_space<vmem_shared>> -> memref<10048x64xf32, #tpu.memory_space<vmem_shared>>
        tpu.wait_indirect_dma semaphore(%run_scoped3A_71 : memref<!tpu.dma_semaphore, #tpu.memory_space<semaphore_mem>>) src(%arg13 : memref<128x64xf32, #tpu.memory_space<vmem>>) dst(%dma_wait3A_83 : memref<10048x64xf32, #tpu.memory_space<vmem_shared>>)
        tpu.yield
      }) : () -> ()
    }
    %scan3A_30 = arith.constant 157 : i32
    %eq3A_31 = arith.constant 1 : i32
    %eq3A_32 = arith.cmpi eq, %arg0, %eq3A_31 : i32
    %convert_element_type3A_33 = arith.extui %eq3A_32 : i1 to i32
    %cond3A_34 = arith.constant 0 : i32
    %cond3A_35 = arith.cmpi ne, %convert_element_type3A_33, %cond3A_34 : i32
    scf.if %cond3A_35 {
      %run_scoped3A_60 = arith.constant 1 : i32
      %run_scoped3A_61 = arith.constant 0 : i32
      "tpu.region"() ({
        %run_scoped3A_68 = tpu.sem_alloc : memref<!tpu.dma_semaphore, #tpu.memory_space<semaphore_mem>>
        %dma_start3A = arith.constant 0 : i32
        %dma_start3A_69 = arith.constant 0 : i32
        %dma_start3A_70 = tpu.memref_slice %arg3[%run_scoped3A_60, %run_scoped3A_61, %arg1, %dma_start3A, %dma_start3A_69] : memref<2x2x16x157x128xi32, #tpu.memory_space<hbm>> -> memref<1x1x1x157x128xi32, #tpu.memory_space<hbm>>
        %dma_start3A_71 = tpu.memref_squeeze %dma_start3A_70 : memref<1x1x1x157x128xi32, #tpu.memory_space<hbm>> -> memref<157x128xi32, #tpu.memory_space<hbm>>
        %dma_start3A_72 = arith.constant 0 : i32
        %dma_start3A_73 = arith.constant 0 : i32
        %dma_start3A_74 = tpu.memref_slice %arg3[%run_scoped3A_60, %run_scoped3A_61, %arg1, %dma_start3A_72, %dma_start3A_73] : memref<2x2x16x157x128xi32, #tpu.memory_space<hbm>> -> memref<1x1x1x157x128xi32, #tpu.memory_space<hbm>>
        %dma_start3A_75 = tpu.memref_squeeze %dma_start3A_74 : memref<1x1x1x157x128xi32, #tpu.memory_space<hbm>> -> memref<157x128xi32, #tpu.memory_space<hbm>>
        tpu.enqueue_dma source(%dma_start3A_75 : memref<157x128xi32, #tpu.memory_space<hbm>>) target(%arg12 : memref<157x128xi32, #tpu.memory_space<vmem>>) target_semaphore(%run_scoped3A_68 : memref<!tpu.dma_semaphore, #tpu.memory_space<semaphore_mem>>)
        %dma_wait3A = arith.constant 0 : i32
        %dma_wait3A_76 = arith.constant 0 : i32
        %dma_wait3A_77 = tpu.memref_slice %arg3[%run_scoped3A_60, %run_scoped3A_61, %arg1, %dma_wait3A, %dma_wait3A_76] : memref<2x2x16x157x128xi32, #tpu.memory_space<hbm>> -> memref<1x1x1x157x128xi32, #tpu.memory_space<hbm>>
        %dma_wait3A_78 = tpu.memref_squeeze %dma_wait3A_77 : memref<1x1x1x157x128xi32, #tpu.memory_space<hbm>> -> memref<157x128xi32, #tpu.memory_space<hbm>>
        %dma_wait3A_79 = arith.constant 0 : i32
        %dma_wait3A_80 = arith.constant 0 : i32
        %dma_wait3A_81 = tpu.memref_slice %arg3[%run_scoped3A_60, %run_scoped3A_61, %arg1, %dma_wait3A_79, %dma_wait3A_80] : memref<2x2x16x157x128xi32, #tpu.memory_space<hbm>> -> memref<1x1x1x157x128xi32, #tpu.memory_space<hbm>>
        %dma_wait3A_82 = tpu.memref_squeeze %dma_wait3A_81 : memref<1x1x1x157x128xi32, #tpu.memory_space<hbm>> -> memref<157x128xi32, #tpu.memory_space<hbm>>
        tpu.wait_dma2 semaphore(%run_scoped3A_68 : memref<!tpu.dma_semaphore, #tpu.memory_space<semaphore_mem>>) src(%dma_wait3A_82 : memref<157x128xi32, #tpu.memory_space<hbm>>) dst(%arg12 : memref<157x128xi32, #tpu.memory_space<vmem>>)
        tpu.yield
      }) : () -> ()
      %scan3A_62 = arith.constant 0 : i32
      %scan3A_63 = arith.constant 0 : i32
      %scan3A_64 = arith.constant 157 : i32
      %scan3A_65 = arith.addi %scan3A_63, %scan3A_64 : i32
      %scan3A_66 = arith.constant 1 : i32
      scf.for %scan3A_68 = %scan3A_63 to %scan3A_65 step %scan3A_66  : i32 {
        "tpu.region"() ({
          %run_scoped3A_69 = tpu.sem_alloc : memref<!tpu.dma_semaphore, #tpu.memory_space<semaphore_mem>>
          %dma_start3A = arith.constant 0 : i32
          %dma_start3A_70 = tpu.memref_slice %arg12[%scan3A_68, %dma_start3A] : memref<157x128xi32, #tpu.memory_space<vmem>> -> memref<1x128xi32, #tpu.memory_space<vmem>>
          %dma_start3A_71 = tpu.memref_squeeze %dma_start3A_70 : memref<1x128xi32, #tpu.memory_space<vmem>> -> memref<128xi32, #tpu.memory_space<vmem>>
          %dma_start3A_72 = arith.constant 0 : i32
          %dma_start3A_73 = tpu.memref_slice %arg18[%dma_start3A_72] : memref<10048xf32, #tpu.memory_space<vmem_shared>> -> memref<10048xf32, #tpu.memory_space<vmem_shared>>
          tpu.enqueue_indirect_dma source(%arg16 : memref<128xf32, #tpu.memory_space<vmem>>) target(%dma_start3A_73 : memref<10048xf32, #tpu.memory_space<vmem_shared>>) offsets(%dma_start3A_71 : memref<128xi32, #tpu.memory_space<vmem>>) semaphore(%run_scoped3A_69 : memref<!tpu.dma_semaphore, #tpu.memory_space<semaphore_mem>>) {add = true}
          %dma_wait3A = arith.constant 0 : i32
          %dma_wait3A_74 = tpu.memref_slice %arg12[%scan3A_68, %dma_wait3A] : memref<157x128xi32, #tpu.memory_space<vmem>> -> memref<1x128xi32, #tpu.memory_space<vmem>>
          %dma_wait3A_75 = tpu.memref_squeeze %dma_wait3A_74 : memref<1x128xi32, #tpu.memory_space<vmem>> -> memref<128xi32, #tpu.memory_space<vmem>>
          %dma_wait3A_76 = arith.constant 0 : i32
          %dma_wait3A_77 = tpu.memref_slice %arg18[%dma_wait3A_76] : memref<10048xf32, #tpu.memory_space<vmem_shared>> -> memref<10048xf32, #tpu.memory_space<vmem_shared>>
          tpu.wait_indirect_dma semaphore(%run_scoped3A_69 : memref<!tpu.dma_semaphore, #tpu.memory_space<semaphore_mem>>) src(%arg16 : memref<128xf32, #tpu.memory_space<vmem>>) dst(%dma_wait3A_77 : memref<10048xf32, #tpu.memory_space<vmem_shared>>)
          tpu.yield
        }) : () -> ()
      }
      %scan3A_67 = arith.constant 157 : i32
    } else {
    }
    %barrier3A_36 = arith.constant 0 : index
    tpu.barrier barrier_id(%barrier3A_36)
    %add3A_37 = arith.constant 0 : i32
    %add3A_38 = arith.addi %mul3A_0, %add3A_37 : i32
    "tpu.region"() ({
      %run_scoped3A_60 = tpu.sem_alloc : memref<!tpu.dma_semaphore, #tpu.memory_space<semaphore_mem>>
      %dma_start3A = arith.constant 0 : i32
      %dma_start3A_61 = tpu.memref_slice %arg8[%arg0, %add3A_38, %dma_start3A] : memref<2x10048x64xf32, #tpu.memory_space<hbm>> -> memref<1x157x64xf32, #tpu.memory_space<hbm>>
      %dma_start3A_62 = tpu.memref_squeeze %dma_start3A_61 : memref<1x157x64xf32, #tpu.memory_space<hbm>> -> memref<157x64xf32, #tpu.memory_space<hbm>>
      %dma_start3A_63 = arith.constant 0 : i32
      %dma_start3A_64 = tpu.memref_slice %arg17[%add3A_38, %dma_start3A_63] : memref<10048x64xf32, #tpu.memory_space<vmem_shared>> -> memref<157x64xf32, #tpu.memory_space<vmem_shared>>
      tpu.enqueue_dma source(%dma_start3A_64 : memref<157x64xf32, #tpu.memory_space<vmem_shared>>) target(%dma_start3A_62 : memref<157x64xf32, #tpu.memory_space<hbm>>) target_semaphore(%run_scoped3A_60 : memref<!tpu.dma_semaphore, #tpu.memory_space<semaphore_mem>>)
      %dma_wait3A = arith.constant 0 : i32
      %dma_wait3A_65 = tpu.memref_slice %arg8[%arg0, %add3A_38, %dma_wait3A] : memref<2x10048x64xf32, #tpu.memory_space<hbm>> -> memref<1x157x64xf32, #tpu.memory_space<hbm>>
      %dma_wait3A_66 = tpu.memref_squeeze %dma_wait3A_65 : memref<1x157x64xf32, #tpu.memory_space<hbm>> -> memref<157x64xf32, #tpu.memory_space<hbm>>
      %dma_wait3A_67 = arith.constant 0 : i32
      %dma_wait3A_68 = tpu.memref_slice %arg17[%add3A_38, %dma_wait3A_67] : memref<10048x64xf32, #tpu.memory_space<vmem_shared>> -> memref<157x64xf32, #tpu.memory_space<vmem_shared>>
      tpu.wait_dma2 semaphore(%run_scoped3A_60 : memref<!tpu.dma_semaphore, #tpu.memory_space<semaphore_mem>>) src(%dma_wait3A_68 : memref<157x64xf32, #tpu.memory_space<vmem_shared>>) dst(%dma_wait3A_66 : memref<157x64xf32, #tpu.memory_space<hbm>>)
      tpu.yield
    }) : () -> ()
    %add3A_39 = arith.constant 157 : i32
    %add3A_40 = arith.addi %mul3A_0, %add3A_39 : i32
    "tpu.region"() ({
      %run_scoped3A_60 = tpu.sem_alloc : memref<!tpu.dma_semaphore, #tpu.memory_space<semaphore_mem>>
      %dma_start3A = arith.constant 0 : i32
      %dma_start3A_61 = tpu.memref_slice %arg8[%arg0, %add3A_40, %dma_start3A] : memref<2x10048x64xf32, #tpu.memory_space<hbm>> -> memref<1x157x64xf32, #tpu.memory_space<hbm>>
      %dma_start3A_62 = tpu.memref_squeeze %dma_start3A_61 : memref<1x157x64xf32, #tpu.memory_space<hbm>> -> memref<157x64xf32, #tpu.memory_space<hbm>>
      %dma_start3A_63 = arith.constant 0 : i32
      %dma_start3A_64 = tpu.memref_slice %arg17[%add3A_40, %dma_start3A_63] : memref<10048x64xf32, #tpu.memory_space<vmem_shared>> -> memref<157x64xf32, #tpu.memory_space<vmem_shared>>
      tpu.enqueue_dma source(%dma_start3A_64 : memref<157x64xf32, #tpu.memory_space<vmem_shared>>) target(%dma_start3A_62 : memref<157x64xf32, #tpu.memory_space<hbm>>) target_semaphore(%run_scoped3A_60 : memref<!tpu.dma_semaphore, #tpu.memory_space<semaphore_mem>>)
      %dma_wait3A = arith.constant 0 : i32
      %dma_wait3A_65 = tpu.memref_slice %arg8[%arg0, %add3A_40, %dma_wait3A] : memref<2x10048x64xf32, #tpu.memory_space<hbm>> -> memref<1x157x64xf32, #tpu.memory_space<hbm>>
      %dma_wait3A_66 = tpu.memref_squeeze %dma_wait3A_65 : memref<1x157x64xf32, #tpu.memory_space<hbm>> -> memref<157x64xf32, #tpu.memory_space<hbm>>
      %dma_wait3A_67 = arith.constant 0 : i32
      %dma_wait3A_68 = tpu.memref_slice %arg17[%add3A_40, %dma_wait3A_67] : memref<10048x64xf32, #tpu.memory_space<vmem_shared>> -> memref<157x64xf32, #tpu.memory_space<vmem_shared>>
      tpu.wait_dma2 semaphore(%run_scoped3A_60 : memref<!tpu.dma_semaphore, #tpu.memory_space<semaphore_mem>>) src(%dma_wait3A_68 : memref<157x64xf32, #tpu.memory_space<vmem_shared>>) dst(%dma_wait3A_66 : memref<157x64xf32, #tpu.memory_space<hbm>>)
      tpu.yield
    }) : () -> ()
    %add3A_41 = arith.constant 314 : i32
    %add3A_42 = arith.addi %mul3A_0, %add3A_41 : i32
    "tpu.region"() ({
      %run_scoped3A_60 = tpu.sem_alloc : memref<!tpu.dma_semaphore, #tpu.memory_space<semaphore_mem>>
      %dma_start3A = arith.constant 0 : i32
      %dma_start3A_61 = tpu.memref_slice %arg8[%arg0, %add3A_42, %dma_start3A] : memref<2x10048x64xf32, #tpu.memory_space<hbm>> -> memref<1x157x64xf32, #tpu.memory_space<hbm>>
      %dma_start3A_62 = tpu.memref_squeeze %dma_start3A_61 : memref<1x157x64xf32, #tpu.memory_space<hbm>> -> memref<157x64xf32, #tpu.memory_space<hbm>>
      %dma_start3A_63 = arith.constant 0 : i32
      %dma_start3A_64 = tpu.memref_slice %arg17[%add3A_42, %dma_start3A_63] : memref<10048x64xf32, #tpu.memory_space<vmem_shared>> -> memref<157x64xf32, #tpu.memory_space<vmem_shared>>
      tpu.enqueue_dma source(%dma_start3A_64 : memref<157x64xf32, #tpu.memory_space<vmem_shared>>) target(%dma_start3A_62 : memref<157x64xf32, #tpu.memory_space<hbm>>) target_semaphore(%run_scoped3A_60 : memref<!tpu.dma_semaphore, #tpu.memory_space<semaphore_mem>>)
      %dma_wait3A = arith.constant 0 : i32
      %dma_wait3A_65 = tpu.memref_slice %arg8[%arg0, %add3A_42, %dma_wait3A] : memref<2x10048x64xf32, #tpu.memory_space<hbm>> -> memref<1x157x64xf32, #tpu.memory_space<hbm>>
      %dma_wait3A_66 = tpu.memref_squeeze %dma_wait3A_65 : memref<1x157x64xf32, #tpu.memory_space<hbm>> -> memref<157x64xf32, #tpu.memory_space<hbm>>
      %dma_wait3A_67 = arith.constant 0 : i32
      %dma_wait3A_68 = tpu.memref_slice %arg17[%add3A_42, %dma_wait3A_67] : memref<10048x64xf32, #tpu.memory_space<vmem_shared>> -> memref<157x64xf32, #tpu.memory_space<vmem_shared>>
      tpu.wait_dma2 semaphore(%run_scoped3A_60 : memref<!tpu.dma_semaphore, #tpu.memory_space<semaphore_mem>>) src(%dma_wait3A_68 : memref<157x64xf32, #tpu.memory_space<vmem_shared>>) dst(%dma_wait3A_66 : memref<157x64xf32, #tpu.memory_space<hbm>>)
      tpu.yield
    }) : () -> ()
    %add3A_43 = arith.constant 471 : i32
    %add3A_44 = arith.addi %mul3A_0, %add3A_43 : i32
    "tpu.region"() ({
      %run_scoped3A_60 = tpu.sem_alloc : memref<!tpu.dma_semaphore, #tpu.memory_space<semaphore_mem>>
      %dma_start3A = arith.constant 0 : i32
      %dma_start3A_61 = tpu.memref_slice %arg8[%arg0, %add3A_44, %dma_start3A] : memref<2x10048x64xf32, #tpu.memory_space<hbm>> -> memref<1x157x64xf32, #tpu.memory_space<hbm>>
      %dma_start3A_62 = tpu.memref_squeeze %dma_start3A_61 : memref<1x157x64xf32, #tpu.memory_space<hbm>> -> memref<157x64xf32, #tpu.memory_space<hbm>>
      %dma_start3A_63 = arith.constant 0 : i32
      %dma_start3A_64 = tpu.memref_slice %arg17[%add3A_44, %dma_start3A_63] : memref<10048x64xf32, #tpu.memory_space<vmem_shared>> -> memref<157x64xf32, #tpu.memory_space<vmem_shared>>
      tpu.enqueue_dma source(%dma_start3A_64 : memref<157x64xf32, #tpu.memory_space<vmem_shared>>) target(%dma_start3A_62 : memref<157x64xf32, #tpu.memory_space<hbm>>) target_semaphore(%run_scoped3A_60 : memref<!tpu.dma_semaphore, #tpu.memory_space<semaphore_mem>>)
      %dma_wait3A = arith.constant 0 : i32
      %dma_wait3A_65 = tpu.memref_slice %arg8[%arg0, %add3A_44, %dma_wait3A] : memref<2x10048x64xf32, #tpu.memory_space<hbm>> -> memref<1x157x64xf32, #tpu.memory_space<hbm>>
      %dma_wait3A_66 = tpu.memref_squeeze %dma_wait3A_65 : memref<1x157x64xf32, #tpu.memory_space<hbm>> -> memref<157x64xf32, #tpu.memory_space<hbm>>
      %dma_wait3A_67 = arith.constant 0 : i32
      %dma_wait3A_68 = tpu.memref_slice %arg17[%add3A_44, %dma_wait3A_67] : memref<10048x64xf32, #tpu.memory_space<vmem_shared>> -> memref<157x64xf32, #tpu.memory_space<vmem_shared>>
      tpu.wait_dma2 semaphore(%run_scoped3A_60 : memref<!tpu.dma_semaphore, #tpu.memory_space<semaphore_mem>>) src(%dma_wait3A_68 : memref<157x64xf32, #tpu.memory_space<vmem_shared>>) dst(%dma_wait3A_66 : memref<157x64xf32, #tpu.memory_space<hbm>>)
      tpu.yield
    }) : () -> ()
    %jit3A = arith.constant 4 : i32
    %eq3A_45 = arith.constant 0 : i32
    %eq3A_46 = arith.cmpi eq, %jit3A, %eq3A_45 : i32
    %jit3A_47 = arith.constant 1 : i32
    %select_n3A = arith.select %eq3A_46, %jit3A_47, %jit3A : i32
    %rem3A = arith.remsi %arg1, %select_n3A : i32
    %ne3A = arith.constant 0 : i32
    %ne3A_48 = arith.cmpi ne, %rem3A, %ne3A : i32
    %lt3A = arith.constant 0 : i32
    %lt3A_49 = arith.cmpi slt, %rem3A, %lt3A : i32
    %lt3A_50 = arith.constant 0 : i32
    %lt3A_51 = arith.cmpi slt, %select_n3A, %lt3A_50 : i32
    %ne3A_52 = arith.xori %lt3A_49, %lt3A_51 : i1
    %and3A = arith.andi %ne3A_52, %ne3A_48 : i1
    %add3A_53 = arith.addi %rem3A, %select_n3A : i32
    %select_n3A_54 = arith.select %and3A, %add3A_53, %rem3A : i32
    %eq3A_55 = arith.constant 0 : i32
    %eq3A_56 = arith.cmpi eq, %select_n3A_54, %eq3A_55 : i32
    %convert_element_type3A_57 = arith.extui %eq3A_56 : i1 to i32
    %cond3A_58 = arith.constant 0 : i32
    %cond3A_59 = arith.cmpi ne, %convert_element_type3A_57, %cond3A_58 : i32
    scf.if %cond3A_59 {
      %jit3A_60 = arith.constant 4 : i32
      %div3A = arith.divsi %arg1, %jit3A_60 : i32
      %sign3A = arith.constant 0 : i32
      %sign3A_61 = arith.cmpi sgt, %arg1, %sign3A : i32
      %sign3A_62 = arith.extui %sign3A_61 : i1 to i32
      %sign3A_63 = arith.constant 0 : i32
      %sign3A_64 = arith.cmpi slt, %arg1, %sign3A_63 : i32
      %sign3A_65 = arith.extui %sign3A_64 : i1 to i32
      %sign3A_66 = arith.subi %sign3A_62, %sign3A_65 : i32
      %sign3A_67 = arith.constant 0 : i32
      %sign3A_68 = arith.cmpi sgt, %jit3A_60, %sign3A_67 : i32
      %sign3A_69 = arith.extui %sign3A_68 : i1 to i32
      %sign3A_70 = arith.constant 0 : i32
      %sign3A_71 = arith.cmpi slt, %jit3A_60, %sign3A_70 : i32
      %sign3A_72 = arith.extui %sign3A_71 : i1 to i32
      %sign3A_73 = arith.subi %sign3A_69, %sign3A_72 : i32
      %ne3A_74 = arith.cmpi ne, %sign3A_66, %sign3A_73 : i32
      %rem3A_75 = arith.remsi %arg1, %jit3A_60 : i32
      %ne3A_76 = arith.constant 0 : i32
      %ne3A_77 = arith.cmpi ne, %rem3A_75, %ne3A_76 : i32
      %and3A_78 = arith.andi %ne3A_74, %ne3A_77 : i1
      %sub3A = arith.constant 1 : i32
      %sub3A_79 = arith.subi %div3A, %sub3A : i32
      %select_n3A_80 = arith.select %and3A_78, %sub3A_79, %div3A : i32
      %mul3A_81 = arith.constant 2512 : i32
      %mul3A_82 = arith.muli %select_n3A_80, %mul3A_81 : i32
      %multiple_of3A = tpu.assume_multiple %mul3A_82, 2512 : i32
      "tpu.region"() ({
        %run_scoped3A_83 = tpu.sem_alloc : memref<!tpu.dma_semaphore, #tpu.memory_space<semaphore_mem>>
        %dma_start3A = tpu.memref_slice %arg9[%arg0, %multiple_of3A] : memref<2x10048xf32, #tpu.memory_space<hbm>> -> memref<1x2512xf32, #tpu.memory_space<hbm>>
        %dma_start3A_84 = tpu.memref_squeeze %dma_start3A : memref<1x2512xf32, #tpu.memory_space<hbm>> -> memref<2512xf32, #tpu.memory_space<hbm>>
        %dma_start3A_85 = tpu.memref_slice %arg18[%multiple_of3A] : memref<10048xf32, #tpu.memory_space<vmem_shared>> -> memref<2512xf32, #tpu.memory_space<vmem_shared>>
        tpu.enqueue_dma source(%dma_start3A_85 : memref<2512xf32, #tpu.memory_space<vmem_shared>>) target(%dma_start3A_84 : memref<2512xf32, #tpu.memory_space<hbm>>) target_semaphore(%run_scoped3A_83 : memref<!tpu.dma_semaphore, #tpu.memory_space<semaphore_mem>>)
        %dma_wait3A = tpu.memref_slice %arg9[%arg0, %multiple_of3A] : memref<2x10048xf32, #tpu.memory_space<hbm>> -> memref<1x2512xf32, #tpu.memory_space<hbm>>
        %dma_wait3A_86 = tpu.memref_squeeze %dma_wait3A : memref<1x2512xf32, #tpu.memory_space<hbm>> -> memref<2512xf32, #tpu.memory_space<hbm>>
        %dma_wait3A_87 = tpu.memref_slice %arg18[%multiple_of3A] : memref<10048xf32, #tpu.memory_space<vmem_shared>> -> memref<2512xf32, #tpu.memory_space<vmem_shared>>
        tpu.wait_dma2 semaphore(%run_scoped3A_83 : memref<!tpu.dma_semaphore, #tpu.memory_space<semaphore_mem>>) src(%dma_wait3A_87 : memref<2512xf32, #tpu.memory_space<vmem_shared>>) dst(%dma_wait3A_86 : memref<2512xf32, #tpu.memory_space<hbm>>)
        tpu.yield
      }) : () -> ()
    } else {
    }
    return
  }
}

module attributes {stable_mosaic.version = 14 : i64} {
  func.func @body(%arg0: i32, %arg1: memref<1024x128xf32, #tpu.memory_space<vmem>>, %arg2: memref<2x128x128xf32, #tpu.memory_space<vmem>>, %arg3: memref<2x128xf32, #tpu.memory_space<vmem>>, %arg4: memref<4x1024x64xf32, #tpu.memory_space<vmem>>) attributes {dimension_semantics = [#tpu.dimension_semantics<arbitrary>], iteration_bounds = array<i64: 10>, scalar_prefetch = 0 : i64, scratch_operands = 0 : i64, tpu.core_type = #tpu.core_type<tc>, window_params = [{transform_indices = @transform_0, window_bounds = array<i64: 1024, 128>}, {pipeline_mode = #tpu.pipeline_mode<synchronous>, transform_indices = @transform_1, window_bounds = array<i64: 2, 128, 128>}, {pipeline_mode = #tpu.pipeline_mode<synchronous>, transform_indices = @transform_2, window_bounds = array<i64: 2, 128>}, {transform_indices = @transform_3, window_bounds = array<i64: 4, 1024, 64>}]} {
    %get3A = arith.constant 0 : index
    %get3A_0 = arith.constant 0 : index
    %get3A_1 = vector.load %arg1[%get3A, %get3A_0] : memref<1024x128xf32, #tpu.memory_space<vmem>>, vector<1024x128xf32>
    %get3A_2 = arith.constant 0 : index
    %get3A_3 = arith.constant 0 : index
    %get3A_4 = arith.constant 0 : index
    %get3A_5 = vector.load %arg2[%get3A_2, %get3A_3, %get3A_4] : memref<2x128x128xf32, #tpu.memory_space<vmem>>, vector<1x128x128xf32>
    %get3A_6 = vector.shape_cast %get3A_5 : vector<1x128x128xf32> to vector<128x128xf32>
    %dot_general3A = arith.constant dense<0.000000e+00> : vector<1024x128xf32>
    %dot_general3A_7 = tpu.matmul %get3A_1, %get3A_6, %dot_general3A {dimension_numbers = #tpu.dot_dimension_numbers<[1], [0], [0], [1], [0, 0, 1, 1], [], []>, transpose_lhs_hint = false} : vector<1024x128xf32>, vector<128x128xf32>, vector<1024x128xf32> -> vector<1024x128xf32>
    %get3A_8 = arith.constant 0 : index
    %get3A_9 = arith.constant 0 : index
    %get3A_10 = vector.load %arg3[%get3A_8, %get3A_9] : memref<2x128xf32, #tpu.memory_space<vmem>>, vector<1x128xf32>
    %add3A = vector.broadcast %get3A_10 : vector<1x128xf32> to vector<1024x128xf32>
    %add3A_11 = arith.addf %dot_general3A_7, %add3A : vector<1024x128xf32>
    %get3A_12 = arith.constant 0 : index
    %get3A_13 = arith.constant 0 : index
    %get3A_14 = vector.load %arg1[%get3A_12, %get3A_13] : memref<1024x128xf32, #tpu.memory_space<vmem>>, vector<1024x128xf32>
    %get3A_15 = arith.constant 1 : index
    %get3A_16 = arith.constant 0 : index
    %get3A_17 = arith.constant 0 : index
    %get3A_18 = vector.load %arg2[%get3A_15, %get3A_16, %get3A_17] : memref<2x128x128xf32, #tpu.memory_space<vmem>>, vector<1x128x128xf32>
    %get3A_19 = vector.shape_cast %get3A_18 : vector<1x128x128xf32> to vector<128x128xf32>
    %dot_general3A_20 = arith.constant dense<0.000000e+00> : vector<1024x128xf32>
    %dot_general3A_21 = tpu.matmul %get3A_14, %get3A_19, %dot_general3A_20 {dimension_numbers = #tpu.dot_dimension_numbers<[1], [0], [0], [1], [0, 0, 1, 1], [], []>, transpose_lhs_hint = false} : vector<1024x128xf32>, vector<128x128xf32>, vector<1024x128xf32> -> vector<1024x128xf32>
    %get3A_22 = arith.constant 1 : index
    %get3A_23 = arith.constant 0 : index
    %get3A_24 = vector.load %arg3[%get3A_22, %get3A_23] : memref<2x128xf32, #tpu.memory_space<vmem>>, vector<1x128xf32>
    %add3A_25 = vector.broadcast %get3A_24 : vector<1x128xf32> to vector<1024x128xf32>
    %add3A_26 = arith.addf %dot_general3A_21, %add3A_25 : vector<1024x128xf32>
    %slice3A = vector.extract_strided_slice %add3A_11 {offsets = [0, 0], sizes = [1024, 64], strides = [1, 1]} : vector<1024x128xf32> to vector<1024x64xf32>
    %swap3A = arith.constant 0 : index
    %swap3A_27 = arith.constant 0 : index
    %swap3A_28 = arith.constant 0 : index
    %swap3A_29 = vector.load %arg4[%swap3A, %swap3A_27, %swap3A_28] : memref<4x1024x64xf32, #tpu.memory_space<vmem>>, vector<1x1024x64xf32>
    %swap3A_30 = vector.shape_cast %swap3A_29 : vector<1x1024x64xf32> to vector<1024x64xf32>
    %swap3A_31 = vector.shape_cast %slice3A : vector<1024x64xf32> to vector<1x1024x64xf32>
    tpu.vector_store %arg4[%swap3A, %swap3A_27, %swap3A_28], %swap3A_31 {strides = array<i32>} : memref<4x1024x64xf32, #tpu.memory_space<vmem>>, vector<1x1024x64xf32>,
    %slice3A_32 = vector.extract_strided_slice %add3A_11 {offsets = [0, 64], sizes = [1024, 64], strides = [1, 1]} : vector<1024x128xf32> to vector<1024x64xf32>
    %swap3A_33 = arith.constant 1 : index
    %swap3A_34 = arith.constant 0 : index
    %swap3A_35 = arith.constant 0 : index
    %swap3A_36 = vector.load %arg4[%swap3A_33, %swap3A_34, %swap3A_35] : memref<4x1024x64xf32, #tpu.memory_space<vmem>>, vector<1x1024x64xf32>
    %swap3A_37 = vector.shape_cast %swap3A_36 : vector<1x1024x64xf32> to vector<1024x64xf32>
    %swap3A_38 = vector.shape_cast %slice3A_32 : vector<1024x64xf32> to vector<1x1024x64xf32>
    tpu.vector_store %arg4[%swap3A_33, %swap3A_34, %swap3A_35], %swap3A_38 {strides = array<i32>} : memref<4x1024x64xf32, #tpu.memory_space<vmem>>, vector<1x1024x64xf32>,
    %slice3A_39 = vector.extract_strided_slice %add3A_26 {offsets = [0, 0], sizes = [1024, 64], strides = [1, 1]} : vector<1024x128xf32> to vector<1024x64xf32>
    %swap3A_40 = arith.constant 2 : index
    %swap3A_41 = arith.constant 0 : index
    %swap3A_42 = arith.constant 0 : index
    %swap3A_43 = vector.load %arg4[%swap3A_40, %swap3A_41, %swap3A_42] : memref<4x1024x64xf32, #tpu.memory_space<vmem>>, vector<1x1024x64xf32>
    %swap3A_44 = vector.shape_cast %swap3A_43 : vector<1x1024x64xf32> to vector<1024x64xf32>
    %swap3A_45 = vector.shape_cast %slice3A_39 : vector<1024x64xf32> to vector<1x1024x64xf32>
    tpu.vector_store %arg4[%swap3A_40, %swap3A_41, %swap3A_42], %swap3A_45 {strides = array<i32>} : memref<4x1024x64xf32, #tpu.memory_space<vmem>>, vector<1x1024x64xf32>,
    %slice3A_46 = vector.extract_strided_slice %add3A_26 {offsets = [0, 64], sizes = [1024, 64], strides = [1, 1]} : vector<1024x128xf32> to vector<1024x64xf32>
    %swap3A_47 = arith.constant 3 : index
    %swap3A_48 = arith.constant 0 : index
    %swap3A_49 = arith.constant 0 : index
    %swap3A_50 = vector.load %arg4[%swap3A_47, %swap3A_48, %swap3A_49] : memref<4x1024x64xf32, #tpu.memory_space<vmem>>, vector<1x1024x64xf32>
    %swap3A_51 = vector.shape_cast %swap3A_50 : vector<1x1024x64xf32> to vector<1024x64xf32>
    %swap3A_52 = vector.shape_cast %slice3A_46 : vector<1024x64xf32> to vector<1x1024x64xf32>
    tpu.vector_store %arg4[%swap3A_47, %swap3A_48, %swap3A_49], %swap3A_52 {strides = array<i32>} : memref<4x1024x64xf32, #tpu.memory_space<vmem>>, vector<1x1024x64xf32>,
    return
  }
  func.func @transform_0(%arg0: i32) -> (i32, i32) {
    %c0_i32 = arith.constant 0 : i32
    %c0_i32_0 = arith.constant 0 : i32
    return %arg0, %c0_i32 : i32, i32
  }
  func.func @transform_1(%arg0: i32) -> (i32, i32, i32) {
    %c0_i32 = arith.constant 0 : i32
    %c0_i32_0 = arith.constant 0 : i32
    %c0_i32_1 = arith.constant 0 : i32
    %c0_i32_2 = arith.constant 0 : i32
    return %c0_i32, %c0_i32_0, %c0_i32_1 : i32, i32, i32
  }
  func.func @transform_2(%arg0: i32) -> (i32, i32) {
    %c0_i32 = arith.constant 0 : i32
    %c0_i32_0 = arith.constant 0 : i32
    %c0_i32_1 = arith.constant 0 : i32
    return %c0_i32, %c0_i32_0 : i32, i32
  }
  func.func @transform_3(%arg0: i32) -> (i32, i32, i32) {
    %c0_i32 = arith.constant 0 : i32
    %c0_i32_0 = arith.constant 0 : i32
    %c0_i32_1 = arith.constant 0 : i32
    return %c0_i32, %arg0, %c0_i32_0 : i32, i32, i32
  }
}

module attributes {stable_mosaic.version = 14 : i64} {
  func.func @body(%arg0: i32, %arg1: memref<2x1000x64xf32, #tpu.memory_space<vmem>>, %arg2: memref<2x1000x1xf32, #tpu.memory_space<vmem>>, %arg3: memref<1000x128xf32, #tpu.memory_space<vmem>>) attributes {dimension_semantics = [#tpu.dimension_semantics<arbitrary>], iteration_bounds = array<i64: 10>, scalar_prefetch = 0 : i64, scratch_operands = 0 : i64, tpu.core_type = #tpu.core_type<tc>, window_params = [{transform_indices = @transform_0, window_bounds = array<i64: 2, 1000, 64>}, {transform_indices = @transform_1, window_bounds = array<i64: 2, 1000, 1>}, {transform_indices = @transform_2, window_bounds = array<i64: 1000, 128>}]} {
    %get3A = arith.constant 0 : index
    %get3A_0 = arith.constant 0 : index
    %get3A_1 = arith.constant 0 : index
    %get3A_2 = vector.load %arg2[%get3A, %get3A_0, %get3A_1] : memref<2x1000x1xf32, #tpu.memory_space<vmem>>, vector<1x1000x1xf32>
    %get3A_3 = vector.shape_cast %get3A_2 : vector<1x1000x1xf32> to vector<1000x1xf32>
    %get3A_4 = arith.constant 1 : index
    %get3A_5 = arith.constant 0 : index
    %get3A_6 = arith.constant 0 : index
    %get3A_7 = vector.load %arg2[%get3A_4, %get3A_5, %get3A_6] : memref<2x1000x1xf32, #tpu.memory_space<vmem>>, vector<1x1000x1xf32>
    %get3A_8 = vector.shape_cast %get3A_7 : vector<1x1000x1xf32> to vector<1000x1xf32>
    %add3A = arith.addf %get3A_3, %get3A_8 : vector<1000x1xf32>
    %eq3A = arith.constant 0.000000e+00 : f32
    %eq3A_9 = vector.broadcast %eq3A : f32 to vector<1000x1xf32>
    %eq3A_10 = arith.cmpf oeq, %add3A, %eq3A_9 : vector<1000x1xf32>
    %jit3A = arith.constant 1.000000e+00 : f32
    %broadcast_in_dim3A = vector.broadcast %jit3A : f32 to vector<1000x1xf32>
    %select_n3A = arith.select %eq3A_10, %broadcast_in_dim3A, %add3A : vector<1000x1xi1>, vector<1000x1xf32>
    %div3A = arith.constant 1.000000e+00 : f32
    %div3A_11 = vector.broadcast %div3A : f32 to vector<1000x1xf32>
    %div3A_12 = arith.divf %div3A_11, %select_n3A : vector<1000x1xf32>
    %get3A_13 = arith.constant 0 : index
    %get3A_14 = arith.constant 0 : index
    %get3A_15 = arith.constant 0 : index
    %get3A_16 = vector.load %arg1[%get3A_13, %get3A_14, %get3A_15] : memref<2x1000x64xf32, #tpu.memory_space<vmem>>, vector<1x1000x64xf32>
    %get3A_17 = vector.shape_cast %get3A_16 : vector<1x1000x64xf32> to vector<1000x64xf32>
    %get3A_18 = arith.constant 1 : index
    %get3A_19 = arith.constant 0 : index
    %get3A_20 = arith.constant 0 : index
    %get3A_21 = vector.load %arg1[%get3A_18, %get3A_19, %get3A_20] : memref<2x1000x64xf32, #tpu.memory_space<vmem>>, vector<1x1000x64xf32>
    %get3A_22 = vector.shape_cast %get3A_21 : vector<1x1000x64xf32> to vector<1000x64xf32>
    %concatenate3A = tpu.concatenate %get3A_17, %get3A_22 in 1 : vector<1000x64xf32>, vector<1000x64xf32> -> vector<1000x128xf32>
    %mul3A = vector.broadcast %div3A_12 : vector<1000x1xf32> to vector<1000x128xf32>
    %mul3A_23 = arith.mulf %concatenate3A, %mul3A : vector<1000x128xf32>
    %max3A = arith.constant 0.000000e+00 : f32
    %max3A_24 = vector.broadcast %max3A : f32 to vector<1000x128xf32>
    %max3A_25 = arith.maximumf %mul3A_23, %max3A_24 : vector<1000x128xf32>
    %swap3A = arith.constant 0 : index
    %swap3A_26 = arith.constant 0 : index
    %swap3A_27 = vector.load %arg3[%swap3A, %swap3A_26] : memref<1000x128xf32, #tpu.memory_space<vmem>>, vector<1000x128xf32>
    tpu.vector_store %arg3[%swap3A, %swap3A_26], %max3A_25 {strides = array<i32>} : memref<1000x128xf32, #tpu.memory_space<vmem>>, vector<1000x128xf32>,
    return
  }
  func.func @transform_0(%arg0: i32) -> (i32, i32, i32) {
    %c0_i32 = arith.constant 0 : i32
    %c0_i32_0 = arith.constant 0 : i32
    %c0_i32_1 = arith.constant 0 : i32
    return %c0_i32, %arg0, %c0_i32_0 : i32, i32, i32
  }
  func.func @transform_1(%arg0: i32) -> (i32, i32, i32) {
    %c0_i32 = arith.constant 0 : i32
    %c0_i32_0 = arith.constant 0 : i32
    %c0_i32_1 = arith.constant 0 : i32
    return %c0_i32, %arg0, %c0_i32_0 : i32, i32, i32
  }
  func.func @transform_2(%arg0: i32) -> (i32, i32) {
    %c0_i32 = arith.constant 0 : i32
    %c0_i32_0 = arith.constant 0 : i32
    return %arg0, %c0_i32 : i32, i32
  }
}

</mosaic_0001>

<sc_bundles>
// kernel: kernel.5.cloned.1.call-start
scs
__scs_entry_jumppad:
0x0: {  	(pc) =	sbr.rel $0x88, $3  }
0x1: {  	(tag) =	ssettag $0x0;
	lr =	simm.s32 $0x1  }
0x2: {  	[smem:$0x3F9A] =	sst lr;
	_ =	strace $0xD0000000  }
0x3: {  	_ = 	snop  }
0x4: {  	_ = 	snop  }
0x5: {  	_ = 	snop  }
0x6: {  	_ = 	snop  }
0x7: {  	_ = 	snop  }
__scs_overlays_trampoline_lowered:
0x8: {  	[smem:$0x3FA9] =	sst s0  }
0x9: {  	[smem:$0x3FAA] =	sst s1  }
0xa: {  	[smem:$0x3FAB] =	sst s2  }
0xb: {  	[smem:$0x3FAC] =	sst s3  }
0xc: {  	[smem:$0x3FAD] =	sst s4  }
0xd: {  	[smem:$0x3FAE] =	sst s5  }
0xe: {  	[smem:$0x3FAF] =	sst s6  }
0xf: {  	[smem:$0x3FB0] =	sst s7  }
0x10: {  	[smem:$0x3FB1] =	sst s8  }
0x11: {  	[smem:$0x3FB2] =	sst s9;
	s0 =	simm.s32 @!p0 $0x0  }
0x12: {  	s1 =	sld [smem:$0x3F98];
	s0 =	simm.s32 @p0 $0x1  }
0x13: {  	[smem:$0x3FB3] =	sst s0;
	s0 =	simm.s32 @!p1 $0x0  }
0x14: {  	s2 =	sld [smem:$0x3F97];
	s0 =	simm.s32 @p1 $0x1  }
0x15: {  	[smem:$0x3FB4] =	sst s0;
	s0 =	simm.s32 @!p2 $0x0  }
0x16: {  	s3 =	sld [smem:$0x3FDB];
	s0 =	simm.s32 @p2 $0x1  }
0x17: {  	s4 =	simm.s32 $0x1BF5;
	[smem:$0x3FB6] =	sst s0  }
0x18: {  	s0 =	sld [smem:$0x3F99];
	_ =	swait.ge [sflag:s4], $0x0  }
0x19: {  	s7 =	sld [smem:$0x3F9A]  }
0x1a: {  	s8 =	sadd.s32 $0xFFFFE003, lr  }
0x1b: {  	s9 =	sadd.s32 $0xFFFFFEF7, lr;
	s5 =	simm.s32 $0xFFFFFFFF;
	p2 =	slt.u32 s8, $0xFFFFF086  }
0x1c: {  	p1 =	slt.u32 s9, $0xF7A;
	s5 =	simm.s32 @!p2 $0x0  }
0x1d: {  	s5 =	simm.s32 @p1 $0x1;
	p0 =	seq.s32 s7, s2  }
0x1e: {  	s7 =	smul.u32 @!p0 $0xF7A, s2;
	p2 =	seq.s32 @!p0 s5, $0x0  }
0x1f: {  	s9 =	smul.u32 $0xF7A, s1;
	s8 =	simm.s32 @!p0 $0x1BF5;
	p2 =	por !p2, p0  }
0x20: {  	[sflag:s8] =	ssyncset.s32 @!p0 $0xFFFFF086;
	s6 =	sadd.s32 @!p0 s3, s7;
	s7 =	simm.s32 @!p0 $0x108  }
0x21: {  	s3 =	sadd.s32 s3, s9;
	s6 =	sadd.s32 @!p0 $0x88, s6;
	s7 =	simm.s32 @p2 $0x1082  }
0x22: {  	[simem:s7], [sflag:s8] =	dma.local @!p0 [hbm:s6], $0xF7A  }
0x23: {  	s9 =	sor.u32 $0xD0000000, s2;
	s6 =	simm.s32 $0x108;
	_ =	swait.ge @!p0 [sflag:s8], $0x0  }
0x24: {  	s3 =	sadd.s32 $0x88, s3;
	s6 =	simm.s32 @!p1 $0x1082;
	[sflag:s4] =	ssyncset.s32 $0xFFFFF086  }
0x25: {  	[simem:s6], [sflag:s4] =	dma.local [hbm:s3], $0xF7A  }
0x26: {  	[smem:$0x3F9A] =	sst s1;
	(tag) =	ssettag s2;
	_ =	strace s9  }
0x27: {  	s1 =	sld [smem:$0x3FAA]  }
0x28: {  	s2 =	sld [smem:$0x3FAB]  }
0x29: {  	s4 =	sld [smem:$0x3FAD]  }
0x2a: {  	p0 =	seq.s32 s5, $0x0;
	s5 =	sld [smem:$0x3FAE]  }
0x2b: {  	s6 =	sld [smem:$0x3FAF]  }
0x2c: {  	s7 =	sld [smem:$0x3FB0]  }
0x2d: {  	s3 =	simm.s32 $0x108;
	s8 =	sld [smem:$0x3FB1]  }
0x2e: {  	s3 =	simm.s32 @!p0 $0x1082;
	s9 =	sld [smem:$0x3FB2]  }
0x2f: {  	lr =	sadd.s32 s0, s3;
	s0 =	sld [smem:$0x3FA9]  }
0x30: {  	s3 =	sld [smem:$0x3FAC]  }
0x31: {  	[smem:$0x3FB5] =	sst s10  }
0x32: {  	s10 =	sld [smem:$0x3FB3];
	_ =	sdelay $0x3  }
0x33: {  	p0 =	seq.s32 s10, $0x1;
	s10 =	sld [smem:$0x3FB5];
	_ =	sdelay $0x3  }
0x34: {  	[smem:$0x3FB5] =	sst s10  }
0x35: {  	s10 =	sld [smem:$0x3FB4];
	_ =	sdelay $0x3  }
0x36: {  	p1 =	seq.s32 s10, $0x1;
	s10 =	sld [smem:$0x3FB5];
	_ =	sdelay $0x3  }
0x37: {  	[smem:$0x3FB5] =	sst s10  }
0x38: {  	s10 =	sld [smem:$0x3FB6]  }
0x39: {  	_ = 	snop;
	(pc) =	sbr.ind lr, $3  }
0x3a: {  	_ = 	snop  }
0x3b: {  	_ = 	snop  }
0x3c: {  	p2 =	seq.s32 s10, $0x1;
	s10 =	sld [smem:$0x3FB5]  }
0x3d: {  	_ =	shalt  }
0x3e: {  	_ =	shalt  }
0x3f: {  	_ =	shalt  }
0x40: {  	_ =	shalt  }
0x41: {  	_ =	shalt  }
0x42: {  	_ =	shalt  }
0x43: {  	_ =	shalt  }
0x44: {  	_ =	shalt  }
0x45: {  	_ =	shalt  }
0x46: {  	_ =	shalt  }
0x47: {  	_ =	shalt  }
0x48: {  	_ =	shalt  }
0x49: {  	_ =	shalt  }
0x4a: {  	_ =	shalt  }
0x4b: {  	_ =	shalt  }
0x4c: {  	_ =	shalt  }
0x4d: {  	_ =	shalt  }
0x4e: {  	_ =	shalt  }
0x4f: {  	_ =	shalt  }
0x50: {  	_ =	shalt  }
0x51: {  	_ =	shalt  }
0x52: {  	_ =	shalt  }
0x53: {  	_ =	shalt  }
0x54: {  	_ =	shalt  }
0x55: {  	_ =	shalt  }
0x56: {  	_ =	shalt  }
0x57: {  	_ =	shalt  }
0x58: {  	_ =	shalt  }
0x59: {  	_ =	shalt  }
0x5a: {  	_ =	shalt  }
0x5b: {  	_ =	shalt  }
0x5c: {  	_ =	shalt  }
0x5d: {  	_ =	shalt  }
0x5e: {  	_ =	shalt  }
0x5f: {  	_ =	shalt  }
0x60: {  	_ =	shalt  }
0x61: {  	_ =	shalt  }
0x62: {  	_ =	shalt  }
0x63: {  	_ =	shalt  }
0x64: {  	_ =	shalt  }
0x65: {  	_ =	shalt  }
0x66: {  	_ =	shalt  }
0x67: {  	_ =	shalt  }
0x68: {  	_ =	shalt  }
0x69: {  	_ =	shalt  }
0x6a: {  	_ =	shalt  }
0x6b: {  	_ =	shalt  }
0x6c: {  	_ =	shalt  }
0x6d: {  	_ =	shalt  }
0x6e: {  	_ =	shalt  }
0x6f: {  	_ =	shalt  }
0x70: {  	_ =	shalt  }
0x71: {  	_ =	shalt  }
0x72: {  	_ =	shalt  }
0x73: {  	_ =	shalt  }
0x74: {  	_ =	shalt  }
0x75: {  	_ =	shalt  }
0x76: {  	_ =	shalt  }
0x77: {  	_ =	shalt  }
0x78: {  	_ =	shalt  }
0x79: {  	_ =	shalt  }
0x7a: {  	_ =	shalt  }
0x7b: {  	_ =	shalt  }
0x7c: {  	_ =	shalt  }
0x7d: {  	_ =	shalt  }
0x7e: {  	_ =	shalt  }
0x7f: {  	_ =	shalt  }
0x80: {  	_ =	shalt  }
0x81: {  	_ =	shalt  }
0x82: {  	_ =	shalt  }
0x83: {  	_ =	shalt  }
0x84: {  	_ =	shalt  }
0x85: {  	_ =	shalt  }
0x86: {  	_ =	shalt  }
0x87: {  	_ =	shalt  }
.Lfunc_end0:
.L_simem_size_0:
called_computation_lowered:
.L_overlay_start_0:
0x88: {  	s2 =	sld [smem:$0x3FD9]  }
0x89: {  	s3 =	sld [smem:$0x3FFE];
	_ =	sdelay $0x1  }
0x8a: {  	s1 =	srdreg.scid  }
0x8b: {  	s0 =	sand.u32 $0x1, s1  }
0x8c: {  	s17 =	sshll.u32 s0, $0xA;
	s2 =	sadd.s32 s3, s2  }
0x8d: {  	s2 =	sadd.s32 s2, s17  }
0x8e: {  	[smem:$0x3FC1] =	sst s2  }
0x8f: {  	_ = 	snop  }
0x90: {  	s2 =	sld [smem:$0x3FD0];
	(tm) =	ssettm $0x1  }
0x91: {  	s18 =	sld [smem:$0x3FFB];
	_ =	sdelay $0x3  }
0x92: {  	_ =	strace s18  }
0x93: {  	s3 =	sld [smem:$0x3FFC];
	_ =	sdelay $0x3  }
0x94: {  	_ =	strace s3  }
0x95: {  	s3 =	sld [smem:$0x3FFD];
	_ =	sdelay $0x3  }
0x96: {  	_ =	strace s3  }
0x97: {  	_ =	strace $0x8FFFFFFF  }
0x98: {  	s19 =	sld [smem:$0x3FDB];
	_ =	sdelay $0x1  }
0x99: {  	s4 =	simm.s32 $_scs_section_size  }
0x9a: {  	s5 =	simm.s32 $_size__tile_overlayer_lowered;
	s6 =	simm.s32 $_tile_overlayer_lowered  }
0x9b: {  	s22 =	simm.s32 $0x1BFF;
	s21 =	sshll.u32 s6, $0x1;
	s3 =	sadd.s32 s4, s19  }
0x9c: {  	s7 =	simm.s32 $0x0;
	s20 =	sshll.u32 s5, $0x1;
	s5 =	sadd.s32 s21, s3  }
0x9d: {  	[timem:s7], [sflag:s22] =	dma.local [hbm:s5], s20  }
0x9e: {  	_ =	swait.ge [sflag:s22], s20  }
0x9f: {  	s4 =	ssub.s32 $0x0, s20;
	[sflag:s22] =	ssyncset.done $0x0  }
0xa0: {  	[sflag:s22] =	ssyncadd.s32 s4;
	_ =	sdelay $0x1  }
0xa1: {  	s23 =	simm.s32 $0x1B8B  }
0xa2: {  	_ =	swait.ge [sflag:s23], $0x1  }
0xa3: {  	[sflag:s23] =	ssyncset.done $0x0  }
0xa4: {  	s25 =	simm.s32 $0x1B8E;
	s24 =	sld [smem:$0x3FFE];
	[sflag:s23] =	ssyncadd.s32 $0xFFFFFFFF  }
0xa5: {  	s26 =	simm.s32 $execute0_lowered;
	[smem:$0x3FD2] =	sst s25  }
0xa6: {  	s5 =	sshll.u32 s26, $0x1;
	_ =	strace $0x80000046;
	[dreg:$0x1] =	wrdreg $0xFFFFFFFF  }
0xa7: {  	s28 =	simm.s32 $_size_execute0_lowered;
	s3 =	sadd.s32 s3, s5;
	[dreg:$0x0] =	wrdreg $0x0  }
0xa8: {  	s5 =	sshll.u32 s28, $0x1;
	[dreg:$0x2] =	wrdreg s3  }
0xa9: {  	[dreg:$0x3] =	wrdreg s5  }
0xaa: {  	[dreg:$0x4] =	wrdreg $0xC0  }
0xab: {  	_ =	task [dreg:s7], $0x5FFFF  }
0xac: {  	[dreg:$0x1] =	wrdreg $0xFFFFFFFF  }
0xad: {  	[dreg:$0x0] =	wrdreg $0x60  }
0xae: {  	[dreg:$0x2] =	wrdreg s24  }
0xaf: {  	[dreg:$0x3] =	wrdreg s2  }
0xb0: {  	[dreg:$0x4] =	wrdreg $0x13D100  }
0xb1: {  	[dreg:$0x5] =	wrdreg $0x1DA100  }
0xb2: {  	[dreg:$0x6] =	wrdreg $0x9  }
0xb3: {  	_ =	task.clear_ibuf [dreg:s7], $0x7FFFF;
	_ =	strace $0x90000046  }
0xb4: {  	s29 =	simm.s32 $0x9;
	_ =	strace $0x80000048  }
0xb5: {  	_ =	swait.ge [sflag:s29], $0x1  }
0xb6: {  	[sflag:s29] =	ssyncadd.s32 $0xFFFFFFFF  }
0xb7: {  	_ =	strace $0x90000048  }
0xb8: {  	_ =	sfence  }
0xb9: {  	s30 =	sld [smem:$0x0];
	_ =	sdelay $0x2  }
0xba: {  	s31 =	sshll.u32 s1, $0xD;
	s1 =	sshrl.u32 s1, $0x2  }
0xbb: {  	s3 =	sand.u32 $0x4000, s31;
	s1 =	sadd.s32 s1, s30  }
0xbc: {  	s0 =	sor.u32 s3, s0;
	s1 =	sshll.u32 s1, $0x11  }
0xbd: {  	s0 =	sor.u32 s1, s0  }
0xbe: {  	s0 =	sadd.s32 $0x8F2B, s0  }
0xbf: {  	[sflag:s0] =	ssyncadd.remote.s32 $0x1  }
0xc0: {  	_ =	sfence.sel $0xFFFF  }
0xc1: {  	[dreg:$0x0] =	wrdreg $0xFFFFFFFF;
	(pc) =	sbr.abs _section_cstart, $3  }
0xc2: {  	[dreg:$0x1] =	wrdreg $0xFFFFFFFF  }
0xc3: {  	_ =	task.clear_ibuf [dreg:s7], $0x2FFFF;
	_ =	strace $0x9FFFFFFF  }
0xc4: {  	(tm) =	ssettm $0x7FFFFFFF  }
0xc5: {  	_ =	shalt  }
tec
execute0_lowered:
.L_overlay_start_1:
0x0: {  	(tag) =	ssettag $0x1  }
0x1: {  	s0 =	rddreg [dreg:$0x0]  }
0x2: {  	s1 =	rddreg [dreg:$0x1]  }
0x3: {  	s25 =	stileid.u32;
	s3 =	srdreg.scid  }
0x4: {  	s2 =	rddreg [dreg:$0x2];
	s4 =	simm.s32 $0x0;
	s30 =	simm.s32 $0x10B80  }
0x5: {  	s31 =	simm.s32 $0x2;
	s6 =	sand.u32 $0x1, s3;
	s3 =	rddreg [dreg:$0x3]  }
0x6: {  	s5 =	smul.u32 $0x4E80, s25;
	[smem:$0x7FF] =	sst s4;
	s21 =	sadd.s32 $0x50800, s0  }
0x7: {  	s12 =	smul.u32 $0x9D00, s25;
	s10 =	sadd.s32 $0x50E00, s0;
	s23 =	sadd.s32 $0x51000, s0  }
0x8: {  	s26 =	sshrl.u32 s25, $0x2;
	_ =	strace $0x80000047;
	[dreg:$0x5] =	wrdreg s21  }
0x9: {  	p2 =	sne.s32 s25, $0x0;
	s7 =	smul.u32 $0x9D000, s6;
	[dreg:$0x6] =	wrdreg s10  }
0xa: {  	s22 =	ssub.s32 $0x2, s6;
	[dreg:$0x7] =	wrdreg s23;
	s19 =	smul.u32 $0x2740, s6  }
0xb: {  	s23 =	smul.u32 $0x9D0, s26;
	p0 =	sne.s32 s6, $0x0;
	p1 =	seq.s32 s6, $0x0  }
0xc: {  	s28 =	sadd.s32 $0x13A0, s3;
	s29 =	sadd.s32 $0x1D70, s3;
	s6 =	simm.s32 $0x1  }
0xd: {  	s9 =	sshrl.u32 s5, $0x3;
	s24 =	sshrl.u32 s22, $0x1;
	s14 =	sadd.s32 $0x2740, s12  }
0xe: {  	s15 =	sadd.s32 $0x4E80, s12;
	s16 =	sadd.s32 $0x75C0, s12;
	s8 =	sadd.s32 s5, s7  }
0xf: {  	s5 =	sadd.s32 $0xA2000, s0;
	s13 =	sadd.s32 s9, s0;
	s20 =	ssub.s32 s22, s24  }
0x10: {  	s9 =	sadd.s32 s12, s2;
	s10 =	sadd.s32 s14, s2;
	s11 =	sadd.s32 s15, s2  }
0x11: {  	s17 =	sadd.s32 s12, s7;
	s12 =	sadd.s32 s16, s2;
	s14 =	sadd.s32 s7, s14  }
0x12: {  	s21 =	sadd.s32 s7, s15;
	s7 =	sadd.s32 s7, s16;
	s19 =	sadd.s32 s19, s23  }
0x13: {  	s24 =	sand.u32 $0x3, s25;
	s8 =	sshrl.u32 s8, $0x3;
	s17 =	sshrl.u32 s17, $0x3  }
0x14: {  	s18 =	sshrl.u32 s14, $0x3;
	s7 =	sshrl.u32 s7, $0x3;
	s22 =	sadd.s32 $0x2000, s13  }
0x15: {  	p3 =	sne.s32 s24, $0x0;
	s26 =	sadd.s32 $0x15A00, s13;
	s24 =	smax.u32 s20, $0x1  }
0x16: {  	s20 =	simm.s32 $0x4E80;
	s8 =	sadd.s32 s8, s0;
	[dreg:$0xb] =	wrdreg s22  }
0x17: {  	s0 =	sadd.s32 $0x51200, s0;
	s22 =	sadd.s32 $0x1F700, s13;
	[dreg:$0xc] =	wrdreg s26  }
0x18: {  	s26 =	sadd.s32 $0x9D0, s3;
	s15 =	sadd.s32 $0x29400, s8;
	s16 =	sadd.s32 s0, s17  }
0x19: {  	s17 =	sadd.s32 s0, s18;
	s18 =	sshrl.u32 s21, $0x3;
	[dreg:$0x8] =	wrdreg s15  }
.Ltmp0:
0x1a: {  	s21 =	sshrl.u32 s19, $0x3;
	[dreg:$0x9] =	wrdreg s16;
	(pc) =	sbr.rel .LBB2_1-.Ltmp0, $4  }
0x1b: {  	[dreg:$0xa] =	wrdreg s17;
	s16 =	sadd.s32 s0, s18;
	s17 =	sadd.s32 s0, s7  }
0x1c: {  	s18 =	sadd.s32 $0xBD00, s13;
	s19 =	sadd.s32 s1, s21;
	s21 =	sadd.s32 $0x33100, s8  }
0x1d: {  	s0 =	sadd.s32 s23, s3;
	s23 =	simm.s32 $0x80;
	s1 =	simm.s32 $0xEB80  }
0x1e: {  	s7 =	simm.s32 $0x0;
	s25 =	sshrl.u32 @!p3 s0, $0x3;
	s0 =	simm.s32 $0x13C90  }
.LBB2_12:
0x1f: {  	[sflag:s31] =	ssyncset.done $0x0  }
0x20: {  	[sflag:s31] =	ssyncadd.s32 $0xFFFFFF80  }
.LBB2_13:
0x21: {  	s8 =	stileid.u32  }
0x22: {  	[bflag:$0x0] =	sbarrier.arrive $0xFFFF;
	s8 =	sshll.u32 s8, $0x6  }
0x23: {  	s13 =	sshrl.u32 s9, $0x3;
	s14 =	rddreg [dreg:$0x9];
	s8 =	sor.u32 $0x1C02, s8  }
0x24: {  	[hbm:s14], [sflag:s8] =	dma.local [spmem:s13], $0x4E8  }
0x25: {  	_ =	swait.ge [sflag:s31], $0x4E8  }
0x26: {  	[sflag:s31] =	ssyncset.done $0x0  }
0x27: {  	s14 =	sshrl.u32 s10, $0x3;
	s15 =	rddreg [dreg:$0xa];
	[sflag:s31] =	ssyncadd.s32 $0xFFFFFB18  }
0x28: {  	[hbm:s15], [sflag:s8] =	dma.local [spmem:s14], $0x4E8  }
0x29: {  	_ =	swait.ge [sflag:s31], $0x4E8  }
0x2a: {  	[sflag:s31] =	ssyncset.done $0x0  }
0x2b: {  	s14 =	sshrl.u32 s11, $0x3;
	[sflag:s31] =	ssyncadd.s32 $0xFFFFFB18  }
0x2c: {  	[hbm:s16], [sflag:s8] =	dma.local [spmem:s14], $0x4E8  }
0x2d: {  	_ =	swait.ge [sflag:s31], $0x4E8  }
0x2e: {  	[sflag:s31] =	ssyncset.done $0x0  }
0x2f: {  	s15 =	sshrl.u32 s12, $0x3;
	[sflag:s31] =	ssyncadd.s32 $0xFFFFFB18  }
0x30: {  	[hbm:s17], [sflag:s8] =	dma.local [spmem:s15], $0x4E8  }
0x31: {  	_ =	swait.ge [sflag:s31], $0x4E8  }
0x32: {  	s7 =	sadd.s32 $0x1, s7;
	[sflag:s31] =	ssyncset.done $0x0  }
0x33: {  	p4 =	sne.s32 s7, s24;
	[sflag:s31] =	ssyncadd.s32 $0xFFFFFB18  }
0x34: {  	[hbm:s19], [sflag:s8] =	dma.local @!p3 [spmem:s25], $0x13A  }
.Ltmp1:
0x35: {  	_ = 	snop;
	(pc) =	sbr.rel @!p4 .LBB2_14-.Ltmp1, $4  }
0x36: {  	s8 =	simm.s32 @!p3 $0x2  }
0x37: {  	_ =	swait.ge @!p3 [sflag:s8], $0x13A  }
0x38: {  	[sflag:s8] =	ssyncset.done @!p3 $0x0  }
0x39: {  	[sflag:s8] =	ssyncadd.s32 @!p3 $0xFFFFFEC6  }
.LBB2_1:
0x3a: {  	s8 =	rddreg [dreg:$0x5]  }
0x3b: {  	[tilespmem:s30], [sflag:$0x2] =	stream.linear.gather [hbm4b:s8+s4], $0x2740, $0x38;
	[tilespmem:$0x1DC88] =	vst v63  }
0x3c: {  	_ =	swait.ge [sflag:s31], $0x2740  }
0x3d: {  	[sflag:s31] =	ssyncset.done $0x0  }
0x3e: {  	s13 =	simm.s32 $0x132C0;
	s14 =	rddreg [dreg:$0x6];
	[sflag:s31] =	ssyncadd.s32 $0xFFFFD8C0  }
0x3f: {  	[tilespmem:s13], [sflag:$0x2] =	stream.linear.gather [hbm4b:s14+s4], $0x9D0, $0x38;
	[tilespmem:$0x1DC88] =	vst v63  }
0x40: {  	_ =	swait.ge [sflag:s31], $0x9D0  }
0x41: {  	[sflag:s31] =	ssyncset.done $0x0  }
0x42: {  	s15 =	rddreg [dreg:$0x7];
	[sflag:s31] =	ssyncadd.s32 $0xFFFFF630  }
0x43: {  	[tilespmem:s0], [sflag:$0x2] =	stream.linear.gather [hbm4b:s15+s4], $0x80, $0x38;
	[tilespmem:$0x1DC88] =	vst v63  }
0x44: {  	_ =	swait.ge [sflag:s31], $0x80  }
0x45: {  	[sflag:s31] =	ssyncset.done $0x0  }
0x46: {  	[sflag:s31] =	ssyncadd.s32 $0xFFFFFF80  }
0x47: {  	[spmem:s9] =	stream.linear.scatter [tilespmem:s30], [sflag:$0x2], $0x2740, $0x38;
	[tilespmem:$0x1DC88] =	vst v63  }
0x48: {  	_ =	swait.ge [sflag:s31], $0x2740  }
0x49: {  	[sflag:s31] =	ssyncset.done $0x0  }
0x4a: {  	[sflag:s31] =	ssyncadd.s32 $0xFFFFD8C0  }
0x4b: {  	[spmem:s10] =	stream.linear.scatter [tilespmem:s30], [sflag:$0x2], $0x2740, $0x38;
	[tilespmem:$0x1DC88] =	vst v63  }
0x4c: {  	_ =	swait.ge [sflag:s31], $0x2740  }
0x4d: {  	[sflag:s31] =	ssyncset.done $0x0  }
0x4e: {  	[sflag:s31] =	ssyncadd.s32 $0xFFFFD8C0  }
0x4f: {  	[spmem:s11] =	stream.linear.scatter [tilespmem:s30], [sflag:$0x2], $0x2740, $0x38;
	[tilespmem:$0x1DC88] =	vst v63  }
0x50: {  	_ =	swait.ge [sflag:s31], $0x2740  }
0x51: {  	[sflag:s31] =	ssyncset.done $0x0  }
0x52: {  	[sflag:s31] =	ssyncadd.s32 $0xFFFFD8C0  }
0x53: {  	[spmem:s12] =	stream.linear.scatter [tilespmem:s30], [sflag:$0x2], $0x2740, $0x38;
	[tilespmem:$0x1DC88] =	vst v63  }
0x54: {  	_ =	swait.ge [sflag:s31], $0x2740  }
0x55: {  	[sflag:s31] =	ssyncset.done $0x0  }
0x56: {  	s8 =	simm.s32 @!p2 $0x132C0;
	s13 =	simm.s32 @!p2 $0x2;
	[sflag:s31] =	ssyncadd.s32 $0xFFFFD8C0  }
0x57: {  	[spmem:s3] =	stream.linear.scatter @!p2 [tilespmem:s8], [sflag:$0x2], $0x9D0, $0x38;
	[tilespmem:$0x1DC88] =	vst v63  }
0x58: {  	_ =	swait.ge @!p2 [sflag:s13], $0x9D0  }
0x59: {  	[sflag:s13] =	ssyncset.done @!p2 $0x0  }
0x5a: {  	[sflag:s13] =	ssyncadd.s32 @!p2 $0xFFFFF630  }
0x5b: {  	[spmem:s26] =	stream.linear.scatter @!p2 [tilespmem:s8], [sflag:$0x2], $0x9D0, $0x38;
	[tilespmem:$0x1DC88] =	vst v63  }
0x5c: {  	_ =	swait.ge @!p2 [sflag:s13], $0x9D0  }
0x5d: {  	[sflag:s13] =	ssyncset.done @!p2 $0x0  }
0x5e: {  	[sflag:s13] =	ssyncadd.s32 @!p2 $0xFFFFF630  }
0x5f: {  	[spmem:s28] =	stream.linear.scatter @!p2 [tilespmem:s8], [sflag:$0x2], $0x9D0, $0x38;
	[tilespmem:$0x1DC88] =	vst v63  }
0x60: {  	_ =	swait.ge @!p2 [sflag:s13], $0x9D0  }
0x61: {  	[sflag:s13] =	ssyncset.done @!p2 $0x0  }
0x62: {  	[sflag:s13] =	ssyncadd.s32 @!p2 $0xFFFFF630  }
0x63: {  	[spmem:s29] =	stream.linear.scatter @!p2 [tilespmem:s8], [sflag:$0x2], $0x9D0, $0x38;
	[tilespmem:$0x1DC88] =	vst v63  }
0x64: {  	_ =	swait.ge @!p2 [sflag:s13], $0x9D0  }
0x65: {  	[sflag:s13] =	ssyncset.done @!p2 $0x0  }
0x66: {  	[sflag:s13] =	ssyncadd.s32 @!p2 $0xFFFFF630  }
0x67: {  	[bflag:$0x0] =	sbarrier.arrive $0xFFFF  }
0x68: {  	s13 =	rddreg [dreg:$0x8]  }
0x69: {  	[tilespmem:s4], [sflag:$0x2] =	stream.linear.gather [hbm4b:s13+s4], $0x4E80, $0x38;
	[tilespmem:$0x1DC88] =	vst v63  }
0x6a: {  	_ =	swait.ge [sflag:s31], $0x4E80  }
0x6b: {  	[sflag:s31] =	ssyncset.done $0x0  }
0x6c: {  	[sflag:s31] =	ssyncadd.s32 $0xFFFFB180  }
0x6d: {  	[tilespmem:s20], [sflag:$0x2] =	stream.linear.gather [hbm4b:s18+s4], $0x4E80, $0x38;
	[tilespmem:$0x1DC88] =	vst v63  }
0x6e: {  	_ =	swait.ge [sflag:s31], $0x4E80  }
0x6f: {  	[sflag:s31] =	ssyncset.done $0x0  }
0x70: {  	s14 =	simm.s32 $0x0;
	[sflag:s31] =	ssyncadd.s32 $0xFFFFB180  }
0x71: {  	[tilespmem:s1], [sflag:$0x1] =	stream.indirect.gather [hbm4b:s5+s23], $0x40, s14, s23, $0xb8;
	[tilespmem:$0x1DC88] =	vst v63  }
0x72: {  	_ =	swait.ge [sflag:s6], $0x2000  }
0x73: {  	[sflag:s6] =	ssyncset.done $0x0  }
0x74: {  	s15 =	simm.s32 $0x4E80;
	[sflag:s6] =	ssyncadd.s32 $0xFFFFE000  }
0x75: {  	[spmem:s2] =	stream.indirect.scatter.add.f32 [tilespmem:s1], [sflag:$0x2], $0x40, s15, s23, $0xb8;
	[tilespmem:$0x1DC88] =	vst v63  }
0x76: {  	_ =	swait.ge [sflag:s31], $0x2000  }
0x77: {  	s8 =	simm.s32 $0x200;
	s13 =	simm.s32 $0x400;
	[sflag:s31] =	ssyncset.done $0x0  }
.LBB2_2:
0x78: {  	s14 =	sshra.s32 s8, $0x2  }
0x79: {  	[sflag:s31] =	ssyncadd.s32 $0xFFFFE000;
	s8 =	smov.u32 s13;
	s15 =	sadd.s32 $0x200, s13  }
0x7a: {  	[tilespmem:s1], [sflag:$0x1] =	stream.indirect.gather [hbm4b:s5+s23], $0x40, s14, s23, $0xb8;
	[tilespmem:$0x1DC88] =	vst v63  }
0x7b: {  	p4 =	sne.s32 s13, $0x13800;
	_ =	swait.ge [sflag:s6], $0x2000  }
.Ltmp2:
0x7c: {  	[sflag:s6] =	ssyncset.done $0x0;
	(pc) =	sbr.rel @p4 .LBB2_2-.Ltmp2, $4  }
0x7d: {  	s13 =	sadd.s32 $0x4E80, s14;
	[sflag:s6] =	ssyncadd.s32 $0xFFFFE000  }
0x7e: {  	[spmem:s2] =	stream.indirect.scatter.add.f32 [tilespmem:s1], [sflag:$0x2], $0x40, s13, s23, $0xb8;
	[tilespmem:$0x1DC88] =	vst v63  }
0x7f: {  	_ =	swait.ge [sflag:s31], $0x2000  }
0x80: {  	s13 =	smov.u32 s15;
	[sflag:s31] =	ssyncset.done $0x0  }
0x81: {  	s8 =	sshra.s32 s8, $0x2;
	[sflag:s31] =	ssyncadd.s32 $0xFFFFE000  }
0x82: {  	[tilespmem:s1], [sflag:$0x1] =	stream.indirect.gather [hbm4b:s5+s23], $0x40, s8, s23, $0xb8;
	[tilespmem:$0x1DC88] =	vst v63  }
0x83: {  	_ =	swait.ge [sflag:s6], $0x2000  }
0x84: {  	[sflag:s6] =	ssyncset.done $0x0  }
.Ltmp3:
0x85: {  	s8 =	sadd.s32 $0x4E80, s8;
	[sflag:s6] =	ssyncadd.s32 $0xFFFFE000;
	(pc) =	sbr.rel @p0 .LBB2_7-.Ltmp3, $4  }
0x86: {  	[spmem:s2] =	stream.indirect.scatter.add.f32 [tilespmem:s1], [sflag:$0x2], $0x40, s8, s23, $0xb8;
	[tilespmem:$0x1DC88] =	vst v63  }
0x87: {  	_ =	swait.ge [sflag:s31], $0x2000  }
0x88: {  	[sflag:s31] =	ssyncset.done $0x0  }
0x89: {  	[sflag:s31] =	ssyncadd.s32 $0xFFFFE000  }
0x8a: {  	s8 =	simm.s32 $0x0;
	s13 =	rddreg [dreg:$0xb];
	s14 =	simm.s32 $0x9D00  }
0x8b: {  	[tilespmem:s14], [sflag:$0x2] =	stream.linear.gather [hbm4b:s13+s8], $0x4E80, $0x38;
	[tilespmem:$0x1DC88] =	vst v63  }
0x8c: {  	_ =	swait.ge [sflag:s31], $0x4E80  }
0x8d: {  	[sflag:s31] =	ssyncset.done $0x0  }
0x8e: {  	s15 =	simm.s32 $0x9D00;
	[sflag:s31] =	ssyncadd.s32 $0xFFFFB180  }
0x8f: {  	[spmem:s3] =	stream.indirect.scatter.add.f32 [tilespmem:s0], [sflag:$0x2], $0x1, s15, s23, $0xb8;
	[tilespmem:$0x1DC88] =	vst v63  }
0x90: {  	s8 =	simm.s32 $0x200;
	_ =	swait.ge [sflag:s31], $0x80  }
.LBB2_5:
0x91: {  	s13 =	sshra.s32 s8, $0x2;
	[sflag:s31] =	ssyncset.done $0x0;
	p4 =	sne.s32 s8, $0x13800  }
.Ltmp4:
0x92: {  	s13 =	sadd.s32 $0x9D00, s13;
	[sflag:s31] =	ssyncadd.s32 $0xFFFFFF80;
	(pc) =	sbr.rel @p4 .LBB2_5-.Ltmp4, $3  }
0x93: {  	[spmem:s3] =	stream.indirect.scatter.add.f32 [tilespmem:s0], [sflag:$0x2], $0x1, s13, s23, $0xb8;
	[tilespmem:$0x1DC88] =	vst v63  }
0x94: {  	s8 =	sadd.s32 $0x200, s8;
	_ =	sdelay $0x1  }
0x95: {  	_ =	swait.ge [sflag:s31], $0x80  }
0x96: {  	[sflag:s31] =	ssyncset.done $0x0  }
0x97: {  	[sflag:s31] =	ssyncadd.s32 $0xFFFFFF80  }
.LBB2_7:
0x98: {  	s8 =	simm.s32 $0x0  }
0x99: {  	[tilespmem:s8], [sflag:$0x2] =	stream.linear.gather [hbm4b:s21+s8], $0x4E80, $0x38;
	[tilespmem:$0x1DC88] =	vst v63  }
0x9a: {  	_ =	swait.ge [sflag:s31], $0x4E80  }
0x9b: {  	[sflag:s31] =	ssyncset.done $0x0  }
0x9c: {  	[sflag:s31] =	ssyncadd.s32 $0xFFFFB180  }
0x9d: {  	[tilespmem:s20], [sflag:$0x2] =	stream.linear.gather [hbm4b:s22+s8], $0x4E80, $0x38;
	[tilespmem:$0x1DC88] =	vst v63  }
0x9e: {  	_ =	swait.ge [sflag:s31], $0x4E80  }
0x9f: {  	[sflag:s31] =	ssyncset.done $0x0  }
0xa0: {  	s14 =	simm.s32 $0x0;
	[sflag:s31] =	ssyncadd.s32 $0xFFFFB180  }
0xa1: {  	[tilespmem:s1], [sflag:$0x1] =	stream.indirect.gather [hbm4b:s5+s23], $0x40, s14, s23, $0xb8;
	[tilespmem:$0x1DC88] =	vst v63  }
0xa2: {  	_ =	swait.ge [sflag:s6], $0x2000  }
0xa3: {  	[sflag:s6] =	ssyncset.done $0x0  }
0xa4: {  	s15 =	simm.s32 $0x4E80;
	[sflag:s6] =	ssyncadd.s32 $0xFFFFE000  }
0xa5: {  	[spmem:s2] =	stream.indirect.scatter.add.f32 [tilespmem:s1], [sflag:$0x2], $0x40, s15, s23, $0xb8;
	[tilespmem:$0x1DC88] =	vst v63  }
0xa6: {  	_ =	swait.ge [sflag:s31], $0x2000  }
0xa7: {  	s13 =	simm.s32 $0x400;
	s8 =	simm.s32 $0x200;
	[sflag:s31] =	ssyncset.done $0x0  }
.LBB2_8:
0xa8: {  	s14 =	sshra.s32 s8, $0x2  }
0xa9: {  	[sflag:s31] =	ssyncadd.s32 $0xFFFFE000;
	s8 =	smov.u32 s13;
	s15 =	sadd.s32 $0x200, s13  }
0xaa: {  	[tilespmem:s1], [sflag:$0x1] =	stream.indirect.gather [hbm4b:s5+s23], $0x40, s14, s23, $0xb8;
	[tilespmem:$0x1DC88] =	vst v63  }
0xab: {  	p4 =	sne.s32 s13, $0x13800;
	_ =	swait.ge [sflag:s6], $0x2000  }
.Ltmp5:
0xac: {  	[sflag:s6] =	ssyncset.done $0x0;
	(pc) =	sbr.rel @p4 .LBB2_8-.Ltmp5, $4  }
0xad: {  	s13 =	sadd.s32 $0x4E80, s14;
	[sflag:s6] =	ssyncadd.s32 $0xFFFFE000  }
0xae: {  	[spmem:s2] =	stream.indirect.scatter.add.f32 [tilespmem:s1], [sflag:$0x2], $0x40, s13, s23, $0xb8;
	[tilespmem:$0x1DC88] =	vst v63  }
0xaf: {  	_ =	swait.ge [sflag:s31], $0x2000  }
0xb0: {  	s13 =	smov.u32 s15;
	[sflag:s31] =	ssyncset.done $0x0  }
0xb1: {  	s8 =	sshra.s32 s8, $0x2;
	[sflag:s31] =	ssyncadd.s32 $0xFFFFE000  }
0xb2: {  	[tilespmem:s1], [sflag:$0x1] =	stream.indirect.gather [hbm4b:s5+s23], $0x40, s8, s23, $0xb8;
	[tilespmem:$0x1DC88] =	vst v63  }
0xb3: {  	_ =	swait.ge [sflag:s6], $0x2000  }
0xb4: {  	[sflag:s6] =	ssyncset.done $0x0  }
.Ltmp6:
0xb5: {  	s8 =	sadd.s32 $0x4E80, s8;
	[sflag:s6] =	ssyncadd.s32 $0xFFFFE000;
	(pc) =	sbr.rel @p1 .LBB2_13-.Ltmp6, $4  }
0xb6: {  	[spmem:s2] =	stream.indirect.scatter.add.f32 [tilespmem:s1], [sflag:$0x2], $0x40, s8, s23, $0xb8;
	[tilespmem:$0x1DC88] =	vst v63  }
0xb7: {  	_ =	swait.ge [sflag:s31], $0x2000  }
0xb8: {  	[sflag:s31] =	ssyncset.done $0x0  }
0xb9: {  	[sflag:s31] =	ssyncadd.s32 $0xFFFFE000  }
0xba: {  	s8 =	simm.s32 $0x0;
	s13 =	rddreg [dreg:$0xc];
	s14 =	simm.s32 $0x9D00  }
0xbb: {  	[tilespmem:s14], [sflag:$0x2] =	stream.linear.gather [hbm4b:s13+s8], $0x4E80, $0x38;
	[tilespmem:$0x1DC88] =	vst v63  }
0xbc: {  	_ =	swait.ge [sflag:s31], $0x4E80  }
0xbd: {  	[sflag:s31] =	ssyncset.done $0x0  }
0xbe: {  	s15 =	simm.s32 $0x9D00;
	[sflag:s31] =	ssyncadd.s32 $0xFFFFB180  }
0xbf: {  	[spmem:s3] =	stream.indirect.scatter.add.f32 [tilespmem:s0], [sflag:$0x2], $0x1, s15, s23, $0xb8;
	[tilespmem:$0x1DC88] =	vst v63  }
0xc0: {  	s8 =	simm.s32 $0x200;
	_ =	swait.ge [sflag:s31], $0x80  }
.LBB2_11:
0xc1: {  	s13 =	sshra.s32 s8, $0x2;
	[sflag:s31] =	ssyncset.done $0x0;
	p4 =	sne.s32 s8, $0x13800  }
.Ltmp7:
0xc2: {  	s13 =	sadd.s32 $0x9D00, s13;
	[sflag:s31] =	ssyncadd.s32 $0xFFFFFF80;
	(pc) =	sbr.rel @p4 .LBB2_11-.Ltmp7, $3  }
0xc3: {  	[spmem:s3] =	stream.indirect.scatter.add.f32 [tilespmem:s0], [sflag:$0x2], $0x1, s13, s23, $0xb8;
	[tilespmem:$0x1DC88] =	vst v63  }
0xc4: {  	s8 =	sadd.s32 $0x200, s8;
	_ =	sdelay $0x1  }
0xc5: {  	_ =	swait.ge [sflag:s31], $0x80  }
.Ltmp8:
0xc6: {  	_ = 	snop;
	(pc) =	sbr.rel .LBB2_12-.Ltmp8, $1  }
0xc7: {  	_ =	sdelay $0x3  }
.LBB2_14:
0xc8: {  	_ =	sfence.sel $0x180000  }
0xc9: {  	[bflag:$0x0] =	sbarrier.arrive $0xFFFF  }
0xca: {  	_ =	strace $0x90000047  }
0xcb: {  	[bflag:$0x2] =	sbarrier.arrive $0xFFFF  }
0xcc: {  	s0 =	rddreg [dreg:$0x4]  }
0xcd: {  	s0 =	sadd.s32 @!p2 $0x100000, s0  }
0xce: {  	[sflag:s0] =	ssyncadd.tile.s32 @!p2 $0x1;
	_ =	shalt  }
.Lfunc_end2:
_tile_overlayer_lowered:
.L_overlay_start_2:
0xcf: {  	(tag) =	ssettag $0x2  }
0xd0: {  	s0 =	rddreg [dreg:$0x0];
	s2 =	stileid.u32  }
0xd1: {  	s1 =	rddreg [dreg:$0x1];
	p0 =	sne.s32 s2, $0x0  }
0xd2: {  	s3 =	rddreg [dreg:$0x2];
	[bflag:$0x3] =	sbarrier.arrive $0xFFFF;
	s2 =	simm.s32 @!p0 $0x1C02  }
0xd3: {  	[timem:s3], [sflag:s2] =	dma.local @!p0 [hbm:s0], s1  }
0xd4: {  	s0 =	simm.s32 @!p0 $0x2  }
0xd5: {  	_ =	swait.ge @!p0 [sflag:s0], s1  }
0xd6: {  	s1 =	ssub.s32 @!p0 $0x0, s1;
	[sflag:s0] =	ssyncset.done @!p0 $0x0  }
0xd7: {  	[sflag:s0] =	ssyncadd.s32 @!p0 s1  }
0xd8: {  	[bflag:$0x3] =	sbarrier.arrive $0xFFFF  }
0xd9: {  	_ =	shalt  }

</sc_bundles>
